<compile_context>
chip_gen: v7x
topology: tpu7x:2x2x1
jax: 0.10.2.dev20260603
libtpu: 0.0.44.dev20260713+nightly
codegen_flags: <defaults>
</compile_context>

<pallas_src>
import functools

import jax
import jax.numpy as jnp
from jax import lax
from jax.experimental import pallas as pl
from jax.experimental.pallas import tpu as pltpu
from jax.experimental.pallas import tpu_sc as plsc

N = 10000
E = 320000
D_IN = 128
D_HID = 64
D_OUT = 128

NC = 2
NS = 16
NW = NC * NS
EPT = E // NW
CHUNK = 80
NCHUNK = EPT // CHUNK
NBUF = 5
N_PAD = 10240
RPT = N_PAD // NS
DEG_W = 8

_mesh = plsc.VectorSubcoreMesh(core_axis_name="c", subcore_axis_name="s")


def _sc_agg_body(with_deg, *refs):
    (table_hbm, src_hbm, dst_hbm, z64_hbm,
     agg_out,
     src_v, dst_v, rows_v, stage_v, agg_sh, sems) = refs

    c = lax.axis_index("c")
    s = lax.axis_index("s")
    wid = c * NS + s
    row0 = s * RPT

    pltpu.sync_copy(z64_hbm.at[pl.ds(row0, RPT)], stage_v)
    pltpu.sync_copy(stage_v, agg_sh.at[pl.ds(row0, RPT)])

    pltpu.sync_copy(src_hbm.at[wid], src_v)
    pltpu.sync_copy(dst_hbm.at[wid], dst_v)
    plsc.subcore_barrier()

    for b in range(NBUF):
        pltpu.async_copy(table_hbm.at[src_v.at[b]], rows_v.at[b], sems[b])

    def body(jj, carry):
        for b in range(NBUF):
            j = jj * NBUF + b
            pltpu.make_async_copy(
                table_hbm.at[src_v.at[j]], rows_v.at[b], sems[b]).wait()
            pltpu.sync_copy(rows_v.at[b], agg_sh.at[dst_v.at[j]], add=True)
            jn = j + NBUF

            @pl.when(jn < NCHUNK)
            def _():
                pltpu.async_copy(
                    table_hbm.at[src_v.at[jn]], rows_v.at[b], sems[b])
        return carry

    lax.fori_loop(0, NCHUNK // NBUF, body, 0)
    plsc.subcore_barrier()

    pltpu.sync_copy(agg_sh.at[pl.ds(row0, RPT)], stage_v)
    pltpu.sync_copy(stage_v, agg_out.at[c, pl.ds(row0, RPT)])


def _sc_deg_body(dst_hbm, z16_hbm, ones_hbm, deg_out,
                 dst_v, ones_v, dstage_v, deg_sh):
    c = lax.axis_index("c")
    s = lax.axis_index("s")
    wid = c * NS + s
    row0 = s * RPT

    pltpu.sync_copy(z16_hbm.at[pl.ds(row0, RPT)], dstage_v)
    pltpu.sync_copy(dstage_v, deg_sh.at[pl.ds(row0, RPT)])
    pltpu.sync_copy(ones_hbm, ones_v)
    pltpu.sync_copy(dst_hbm.at[wid], dst_v)
    plsc.subcore_barrier()

    def body(j, carry):
        pltpu.sync_copy(ones_v, deg_sh.at[dst_v.at[j]], add=True)
        return carry

    lax.fori_loop(0, NCHUNK, body, 0)
    plsc.subcore_barrier()
    pltpu.sync_copy(deg_sh.at[pl.ds(row0, RPT)], dstage_v)
    pltpu.sync_copy(dstage_v, deg_out.at[c, pl.ds(row0, RPT)])


_sc_deg = pl.kernel(
    _sc_deg_body,
    out_type=jax.ShapeDtypeStruct((NC, N_PAD, DEG_W), jnp.float32),
    mesh=_mesh,
    compiler_params=pltpu.CompilerParams(use_tc_tiling_on_sc=False),
    scratch_types=[
        pltpu.VMEM((NCHUNK, CHUNK), jnp.int32),
        pltpu.VMEM((CHUNK, DEG_W), jnp.float32),
        pltpu.VMEM((RPT, DEG_W), jnp.float32),
        pltpu.VMEM_SHARED((N_PAD, DEG_W), jnp.float32),
    ],
)


_sc_agg = pl.kernel(
    functools.partial(_sc_agg_body, False),
    out_type=jax.ShapeDtypeStruct((NC, N_PAD, D_HID), jnp.float32),
    mesh=_mesh,
    compiler_params=pltpu.CompilerParams(use_tc_tiling_on_sc=False),
    scratch_types=[
        pltpu.VMEM((NCHUNK, CHUNK), jnp.int32),
        pltpu.VMEM((NCHUNK, CHUNK), jnp.int32),
        pltpu.VMEM((NBUF, CHUNK, D_HID), jnp.float32),
        pltpu.VMEM((RPT, D_HID), jnp.float32),
        pltpu.VMEM_SHARED((N_PAD, D_HID), jnp.float32),
        [pltpu.SemaphoreType.DMA] * NBUF,
    ],
)


def _tc_pre_body(x_ref, w_ref, y_ref):
    y_ref[...] = jnp.dot(x_ref[...], w_ref[...],
                         preferred_element_type=jnp.float32)


_tc_pre = pl.pallas_call(
    _tc_pre_body,
    out_shape=jax.ShapeDtypeStruct((N, D_HID), jnp.float32),
)


def _tc_mid_body(y_ref, agg_ref, deg_ref, b_ref, hemb_ref, h_ref):
    deg = deg_ref[0, 0:N, 0:1] + deg_ref[1, 0:N, 0:1] + 1.0
    total = y_ref[...] + agg_ref[0, 0:N, :] + agg_ref[1, 0:N, :]
    hemb = total / deg + b_ref[...]
    hemb_ref[...] = hemb
    h_ref[...] = jnp.maximum(hemb, 0.0)


_tc_mid = pl.pallas_call(
    _tc_mid_body,
    out_shape=(
        jax.ShapeDtypeStruct((N, D_HID), jnp.float32),
        jax.ShapeDtypeStruct((N, D_HID), jnp.float32),
    ),
)


def _tc_fin_body(h_ref, agg_ref, deg_ref, w_ref, b_ref, out_ref):
    deg = deg_ref[0, 0:N, 0:1] + deg_ref[1, 0:N, 0:1] + 1.0
    hn = (h_ref[...] + agg_ref[0, 0:N, :] + agg_ref[1, 0:N, :]) / deg
    out_ref[...] = jnp.dot(hn, w_ref[...],
                           preferred_element_type=jnp.float32) + b_ref[...]


_tc_fin = pl.pallas_call(
    _tc_fin_body,
    out_shape=jax.ShapeDtypeStruct((N, D_OUT), jnp.float32),
)


@jax.jit
def kernel(feats, edge_index, W1, b1, W2, b2):
    src3 = edge_index[0].reshape(NW, NCHUNK, CHUNK)
    dst3 = edge_index[1].reshape(NW, NCHUNK, CHUNK)
    z64 = jnp.zeros((N_PAD, D_HID), jnp.float32)
    z16 = jnp.zeros((N_PAD, DEG_W), jnp.float32)
    ones = jnp.ones((CHUNK, DEG_W), jnp.float32)

    y = _tc_pre(feats, W1)
    deg = _sc_deg(dst3, z16, ones)
    agg1 = _sc_agg(y, src3, dst3, z64)
    h_emb, h = _tc_mid(y, agg1, deg, b1.reshape(1, D_HID))
    agg2 = _sc_agg(h, src3, dst3, z64)
    h2 = _tc_fin(h, agg2, deg, W2, b2.reshape(1, D_OUT))
    return (h_emb, h2)

# --- scband reference (transcript-rebuilt; emitter-appended) ---
"""Pipeline reference for scband-graph-sage-19825569038524 (READ-ONLY COPY).

The authoritative reference and input builder live on the scoring server;
editing this copy changes nothing except your own understanding.
"""

import jax, jax.numpy as jnp
import numpy as np

N = 10000
E = 320000
D_IN = 128
D_HID = 64
D_OUT = 128


def setup_inputs(seed: int = 0) -> dict:
    key = jax.random.key(seed)
    k1, k2, k3, k4 = jax.random.split(key, 4)
    feats = jax.random.normal(k1, (N, D_IN), dtype=jnp.float32)
    edge_index = jax.random.randint(k2, (2, E), 0, N, dtype=jnp.int32)
    W1 = jax.random.normal(k3, (D_IN, D_HID), dtype=jnp.float32) * (1.0 / np.sqrt(D_IN))
    b1 = jnp.zeros((D_HID,), dtype=jnp.float32)
    W2 = jax.random.normal(k4, (D_HID, D_OUT), dtype=jnp.float32) * (1.0 / np.sqrt(D_HID))
    b2 = jnp.zeros((D_OUT,), dtype=jnp.float32)
    return {"feats": feats, "edge_index": edge_index, "W1": W1, "b1": b1, "W2": W2, "b2": b2}


def _sage_gcn(x, src, dst, W, b):
    # DGL SAGEConv aggregator_type='gcn':
    # h_neigh = (sum_{u in N(v)} h_u + h_v) / (in_deg(v) + 1); out = h_neigh @ W + b
    msg = jnp.take(x, src, axis=0)
    agg = jax.ops.segment_sum(msg, dst, num_segments=N)
    deg = jax.ops.segment_sum(jnp.ones((src.shape[0],), dtype=x.dtype), dst, num_segments=N)
    h_neigh = (x + agg) / (deg[:, None] + 1.0)
    return h_neigh @ W + b


def reference(feats, edge_index, W1, b1, W2, b2):
    src = edge_index[0]
    dst = edge_index[1]
    # layer 0 (input_dim -> hidden_dim)
    h1 = _sage_gcn(feats, src, dst, W1, b1)
    h_emb = h1  # saved pre-activation (no norm since norm_type=None)
    h = jax.nn.relu(h1)
    # dropout p=0.0 -> identity
    # layer 1 (hidden_dim -> output_dim), last layer: no activation
    h2 = _sage_gcn(h, src, dst, W2, b2)
    return (h_emb, h2)

if __name__ == "__main__":
    import jax
    _d = setup_inputs()
    print(jax.jit(kernel)(*tuple(_d.values())))

</pallas_src>

<mosaic_0001>
#map = affine_map<(d0, d1) -> (0, 0, 0)>
#map1 = affine_map<(d0, d1) -> (0, 0)>
module attributes {stable_mosaic.version = 14 : i64} {
  func.func @_sc_deg_body(%arg0: i32, %arg1: i32, %arg2: memref<32x125x80xi32, #tpu.memory_space<hbm>>, %arg3: memref<10240x8xf32, #tpu.memory_space<hbm>>, %arg4: memref<80x8xf32, #tpu.memory_space<hbm>>, %arg5: memref<2x10240x8xf32, #tpu.memory_space<hbm>>, %arg6: memref<125x80xi32, #tpu.memory_space<vmem>>, %arg7: memref<80x8xf32, #tpu.memory_space<vmem>>, %arg8: memref<640x8xf32, #tpu.memory_space<vmem>>, %arg9: memref<10240x8xf32, #tpu.memory_space<vmem_shared>>) attributes {dimension_semantics = [#tpu.dimension_semantics<core_parallel>, #tpu.dimension_semantics<subcore_parallel>], iteration_bounds = array<i64: 2, 16>, scalar_prefetch = 0 : i64, scratch_operands = 4 : i64, tpu.core_type = #tpu.core_type<sc_vector_subcore>, window_params = [{transform_indices = #map}, {transform_indices = #map1}, {transform_indices = #map1}, {transform_indices = #map}]} {
    %mul3A = arith.constant 16 : i32
    %mul3A_0 = arith.muli %arg0, %mul3A : i32
    %add3A = arith.addi %mul3A_0, %arg1 : i32
    %mul3A_1 = arith.constant 640 : i32
    %mul3A_2 = arith.muli %arg1, %mul3A_1 : i32
    "tpu.region"() ({
      %run_scoped3A = tpu.sem_alloc : memref<!tpu.dma_semaphore, #tpu.memory_space<semaphore_mem>>
      %dma_start3A = arith.constant 0 : i32
      %dma_start3A_9 = tpu.memref_slice %arg3[%mul3A_2, %dma_start3A] : memref<10240x8xf32, #tpu.memory_space<hbm>> -> memref<640x8xf32, #tpu.memory_space<hbm>>
      %dma_start3A_10 = arith.constant 0 : i32
      %dma_start3A_11 = tpu.memref_slice %arg3[%mul3A_2, %dma_start3A_10] : memref<10240x8xf32, #tpu.memory_space<hbm>> -> memref<640x8xf32, #tpu.memory_space<hbm>>
      tpu.enqueue_dma source(%dma_start3A_11 : memref<640x8xf32, #tpu.memory_space<hbm>>) target(%arg8 : memref<640x8xf32, #tpu.memory_space<vmem>>) target_semaphore(%run_scoped3A : memref<!tpu.dma_semaphore, #tpu.memory_space<semaphore_mem>>)
      %dma_wait3A = arith.constant 0 : i32
      %dma_wait3A_12 = tpu.memref_slice %arg3[%mul3A_2, %dma_wait3A] : memref<10240x8xf32, #tpu.memory_space<hbm>> -> memref<640x8xf32, #tpu.memory_space<hbm>>
      %dma_wait3A_13 = arith.constant 0 : i32
      %dma_wait3A_14 = tpu.memref_slice %arg3[%mul3A_2, %dma_wait3A_13] : memref<10240x8xf32, #tpu.memory_space<hbm>> -> memref<640x8xf32, #tpu.memory_space<hbm>>
      tpu.wait_dma2 semaphore(%run_scoped3A : memref<!tpu.dma_semaphore, #tpu.memory_space<semaphore_mem>>) src(%dma_wait3A_14 : memref<640x8xf32, #tpu.memory_space<hbm>>) dst(%arg8 : memref<640x8xf32, #tpu.memory_space<vmem>>)
      tpu.yield
    }) : () -> ()
    "tpu.region"() ({
      %run_scoped3A = tpu.sem_alloc : memref<!tpu.dma_semaphore, #tpu.memory_space<semaphore_mem>>
      %dma_start3A = arith.constant 0 : i32
      %dma_start3A_9 = tpu.memref_slice %arg9[%mul3A_2, %dma_start3A] : memref<10240x8xf32, #tpu.memory_space<vmem_shared>> -> memref<640x8xf32, #tpu.memory_space<vmem_shared>>
      %dma_start3A_10 = arith.constant 0 : i32
      %dma_start3A_11 = tpu.memref_slice %arg9[%mul3A_2, %dma_start3A_10] : memref<10240x8xf32, #tpu.memory_space<vmem_shared>> -> memref<640x8xf32, #tpu.memory_space<vmem_shared>>
      tpu.enqueue_dma source(%arg8 : memref<640x8xf32, #tpu.memory_space<vmem>>) target(%dma_start3A_11 : memref<640x8xf32, #tpu.memory_space<vmem_shared>>) target_semaphore(%run_scoped3A : memref<!tpu.dma_semaphore, #tpu.memory_space<semaphore_mem>>)
      %dma_wait3A = arith.constant 0 : i32
      %dma_wait3A_12 = tpu.memref_slice %arg9[%mul3A_2, %dma_wait3A] : memref<10240x8xf32, #tpu.memory_space<vmem_shared>> -> memref<640x8xf32, #tpu.memory_space<vmem_shared>>
      %dma_wait3A_13 = arith.constant 0 : i32
      %dma_wait3A_14 = tpu.memref_slice %arg9[%mul3A_2, %dma_wait3A_13] : memref<10240x8xf32, #tpu.memory_space<vmem_shared>> -> memref<640x8xf32, #tpu.memory_space<vmem_shared>>
      tpu.wait_dma2 semaphore(%run_scoped3A : memref<!tpu.dma_semaphore, #tpu.memory_space<semaphore_mem>>) src(%arg8 : memref<640x8xf32, #tpu.memory_space<vmem>>) dst(%dma_wait3A_14 : memref<640x8xf32, #tpu.memory_space<vmem_shared>>)
      tpu.yield
    }) : () -> ()
    "tpu.region"() ({
      %run_scoped3A = tpu.sem_alloc : memref<!tpu.dma_semaphore, #tpu.memory_space<semaphore_mem>>
      tpu.enqueue_dma source(%arg4 : memref<80x8xf32, #tpu.memory_space<hbm>>) target(%arg7 : memref<80x8xf32, #tpu.memory_space<vmem>>) target_semaphore(%run_scoped3A : memref<!tpu.dma_semaphore, #tpu.memory_space<semaphore_mem>>)
      tpu.wait_dma2 semaphore(%run_scoped3A : memref<!tpu.dma_semaphore, #tpu.memory_space<semaphore_mem>>) src(%arg4 : memref<80x8xf32, #tpu.memory_space<hbm>>) dst(%arg7 : memref<80x8xf32, #tpu.memory_space<vmem>>)
      tpu.yield
    }) : () -> ()
    "tpu.region"() ({
      %run_scoped3A = tpu.sem_alloc : memref<!tpu.dma_semaphore, #tpu.memory_space<semaphore_mem>>
      %dma_start3A = arith.constant 0 : i32
      %dma_start3A_9 = arith.constant 0 : i32
      %dma_start3A_10 = tpu.memref_slice %arg2[%add3A, %dma_start3A, %dma_start3A_9] : memref<32x125x80xi32, #tpu.memory_space<hbm>> -> memref<1x125x80xi32, #tpu.memory_space<hbm>>
      %dma_start3A_11 = tpu.memref_squeeze %dma_start3A_10 : memref<1x125x80xi32, #tpu.memory_space<hbm>> -> memref<125x80xi32, #tpu.memory_space<hbm>>
      %dma_start3A_12 = arith.constant 0 : i32
      %dma_start3A_13 = arith.constant 0 : i32
      %dma_start3A_14 = tpu.memref_slice %arg2[%add3A, %dma_start3A_12, %dma_start3A_13] : memref<32x125x80xi32, #tpu.memory_space<hbm>> -> memref<1x125x80xi32, #tpu.memory_space<hbm>>
      %dma_start3A_15 = tpu.memref_squeeze %dma_start3A_14 : memref<1x125x80xi32, #tpu.memory_space<hbm>> -> memref<125x80xi32, #tpu.memory_space<hbm>>
      tpu.enqueue_dma source(%dma_start3A_15 : memref<125x80xi32, #tpu.memory_space<hbm>>) target(%arg6 : memref<125x80xi32, #tpu.memory_space<vmem>>) target_semaphore(%run_scoped3A : memref<!tpu.dma_semaphore, #tpu.memory_space<semaphore_mem>>)
      %dma_wait3A = arith.constant 0 : i32
      %dma_wait3A_16 = arith.constant 0 : i32
      %dma_wait3A_17 = tpu.memref_slice %arg2[%add3A, %dma_wait3A, %dma_wait3A_16] : memref<32x125x80xi32, #tpu.memory_space<hbm>> -> memref<1x125x80xi32, #tpu.memory_space<hbm>>
      %dma_wait3A_18 = tpu.memref_squeeze %dma_wait3A_17 : memref<1x125x80xi32, #tpu.memory_space<hbm>> -> memref<125x80xi32, #tpu.memory_space<hbm>>
      %dma_wait3A_19 = arith.constant 0 : i32
      %dma_wait3A_20 = arith.constant 0 : i32
      %dma_wait3A_21 = tpu.memref_slice %arg2[%add3A, %dma_wait3A_19, %dma_wait3A_20] : memref<32x125x80xi32, #tpu.memory_space<hbm>> -> memref<1x125x80xi32, #tpu.memory_space<hbm>>
      %dma_wait3A_22 = tpu.memref_squeeze %dma_wait3A_21 : memref<1x125x80xi32, #tpu.memory_space<hbm>> -> memref<125x80xi32, #tpu.memory_space<hbm>>
      tpu.wait_dma2 semaphore(%run_scoped3A : memref<!tpu.dma_semaphore, #tpu.memory_space<semaphore_mem>>) src(%dma_wait3A_22 : memref<125x80xi32, #tpu.memory_space<hbm>>) dst(%arg6 : memref<125x80xi32, #tpu.memory_space<vmem>>)
      tpu.yield
    }) : () -> ()
    %barrier3A = arith.constant 0 : index
    tpu.barrier barrier_id(%barrier3A)
    %scan3A = arith.constant 0 : i32
    %scan3A_3 = arith.constant 0 : i32
    %scan3A_4 = arith.constant 125 : i32
    %scan3A_5 = arith.addi %scan3A_3, %scan3A_4 : i32
    %scan3A_6 = arith.constant 1 : i32
    scf.for %scan3A_9 = %scan3A_3 to %scan3A_5 step %scan3A_6  : i32 {
      "tpu.region"() ({
        %run_scoped3A = tpu.sem_alloc : memref<!tpu.dma_semaphore, #tpu.memory_space<semaphore_mem>>
        %dma_start3A = arith.constant 0 : i32
        %dma_start3A_10 = tpu.memref_slice %arg6[%scan3A_9, %dma_start3A] : memref<125x80xi32, #tpu.memory_space<vmem>> -> memref<1x80xi32, #tpu.memory_space<vmem>>
        %dma_start3A_11 = tpu.memref_squeeze %dma_start3A_10 : memref<1x80xi32, #tpu.memory_space<vmem>> -> memref<80xi32, #tpu.memory_space<vmem>>
        %dma_start3A_12 = arith.constant 0 : i32
        %dma_start3A_13 = arith.constant 0 : i32
        %dma_start3A_14 = tpu.memref_slice %arg9[%dma_start3A_12, %dma_start3A_13] : memref<10240x8xf32, #tpu.memory_space<vmem_shared>> -> memref<10240x8xf32, #tpu.memory_space<vmem_shared>>
        tpu.enqueue_indirect_dma source(%arg7 : memref<80x8xf32, #tpu.memory_space<vmem>>) target(%dma_start3A_14 : memref<10240x8xf32, #tpu.memory_space<vmem_shared>>) offsets(%dma_start3A_11 : memref<80xi32, #tpu.memory_space<vmem>>) semaphore(%run_scoped3A : memref<!tpu.dma_semaphore, #tpu.memory_space<semaphore_mem>>) {add = true}
        %dma_wait3A = arith.constant 0 : i32
        %dma_wait3A_15 = tpu.memref_slice %arg6[%scan3A_9, %dma_wait3A] : memref<125x80xi32, #tpu.memory_space<vmem>> -> memref<1x80xi32, #tpu.memory_space<vmem>>
        %dma_wait3A_16 = tpu.memref_squeeze %dma_wait3A_15 : memref<1x80xi32, #tpu.memory_space<vmem>> -> memref<80xi32, #tpu.memory_space<vmem>>
        %dma_wait3A_17 = arith.constant 0 : i32
        %dma_wait3A_18 = arith.constant 0 : i32
        %dma_wait3A_19 = tpu.memref_slice %arg9[%dma_wait3A_17, %dma_wait3A_18] : memref<10240x8xf32, #tpu.memory_space<vmem_shared>> -> memref<10240x8xf32, #tpu.memory_space<vmem_shared>>
        tpu.wait_indirect_dma semaphore(%run_scoped3A : memref<!tpu.dma_semaphore, #tpu.memory_space<semaphore_mem>>) src(%arg7 : memref<80x8xf32, #tpu.memory_space<vmem>>) dst(%dma_wait3A_19 : memref<10240x8xf32, #tpu.memory_space<vmem_shared>>)
        tpu.yield
      }) : () -> ()
    }
    %scan3A_7 = arith.constant 125 : i32
    %barrier3A_8 = arith.constant 0 : index
    tpu.barrier barrier_id(%barrier3A_8)
    "tpu.region"() ({
      %run_scoped3A = tpu.sem_alloc : memref<!tpu.dma_semaphore, #tpu.memory_space<semaphore_mem>>
      %dma_start3A = arith.constant 0 : i32
      %dma_start3A_9 = tpu.memref_slice %arg9[%mul3A_2, %dma_start3A] : memref<10240x8xf32, #tpu.memory_space<vmem_shared>> -> memref<640x8xf32, #tpu.memory_space<vmem_shared>>
      %dma_start3A_10 = arith.constant 0 : i32
      %dma_start3A_11 = tpu.memref_slice %arg9[%mul3A_2, %dma_start3A_10] : memref<10240x8xf32, #tpu.memory_space<vmem_shared>> -> memref<640x8xf32, #tpu.memory_space<vmem_shared>>
      tpu.enqueue_dma source(%dma_start3A_11 : memref<640x8xf32, #tpu.memory_space<vmem_shared>>) target(%arg8 : memref<640x8xf32, #tpu.memory_space<vmem>>) target_semaphore(%run_scoped3A : memref<!tpu.dma_semaphore, #tpu.memory_space<semaphore_mem>>)
      %dma_wait3A = arith.constant 0 : i32
      %dma_wait3A_12 = tpu.memref_slice %arg9[%mul3A_2, %dma_wait3A] : memref<10240x8xf32, #tpu.memory_space<vmem_shared>> -> memref<640x8xf32, #tpu.memory_space<vmem_shared>>
      %dma_wait3A_13 = arith.constant 0 : i32
      %dma_wait3A_14 = tpu.memref_slice %arg9[%mul3A_2, %dma_wait3A_13] : memref<10240x8xf32, #tpu.memory_space<vmem_shared>> -> memref<640x8xf32, #tpu.memory_space<vmem_shared>>
      tpu.wait_dma2 semaphore(%run_scoped3A : memref<!tpu.dma_semaphore, #tpu.memory_space<semaphore_mem>>) src(%dma_wait3A_14 : memref<640x8xf32, #tpu.memory_space<vmem_shared>>) dst(%arg8 : memref<640x8xf32, #tpu.memory_space<vmem>>)
      tpu.yield
    }) : () -> ()
    "tpu.region"() ({
      %run_scoped3A = tpu.sem_alloc : memref<!tpu.dma_semaphore, #tpu.memory_space<semaphore_mem>>
      %dma_start3A = arith.constant 0 : i32
      %dma_start3A_9 = tpu.memref_slice %arg5[%arg0, %mul3A_2, %dma_start3A] : memref<2x10240x8xf32, #tpu.memory_space<hbm>> -> memref<1x640x8xf32, #tpu.memory_space<hbm>>
      %dma_start3A_10 = tpu.memref_squeeze %dma_start3A_9 : memref<1x640x8xf32, #tpu.memory_space<hbm>> -> memref<640x8xf32, #tpu.memory_space<hbm>>
      %dma_start3A_11 = arith.constant 0 : i32
      %dma_start3A_12 = tpu.memref_slice %arg5[%arg0, %mul3A_2, %dma_start3A_11] : memref<2x10240x8xf32, #tpu.memory_space<hbm>> -> memref<1x640x8xf32, #tpu.memory_space<hbm>>
      %dma_start3A_13 = tpu.memref_squeeze %dma_start3A_12 : memref<1x640x8xf32, #tpu.memory_space<hbm>> -> memref<640x8xf32, #tpu.memory_space<hbm>>
      tpu.enqueue_dma source(%arg8 : memref<640x8xf32, #tpu.memory_space<vmem>>) target(%dma_start3A_13 : memref<640x8xf32, #tpu.memory_space<hbm>>) target_semaphore(%run_scoped3A : memref<!tpu.dma_semaphore, #tpu.memory_space<semaphore_mem>>)
      %dma_wait3A = arith.constant 0 : i32
      %dma_wait3A_14 = tpu.memref_slice %arg5[%arg0, %mul3A_2, %dma_wait3A] : memref<2x10240x8xf32, #tpu.memory_space<hbm>> -> memref<1x640x8xf32, #tpu.memory_space<hbm>>
      %dma_wait3A_15 = tpu.memref_squeeze %dma_wait3A_14 : memref<1x640x8xf32, #tpu.memory_space<hbm>> -> memref<640x8xf32, #tpu.memory_space<hbm>>
      %dma_wait3A_16 = arith.constant 0 : i32
      %dma_wait3A_17 = tpu.memref_slice %arg5[%arg0, %mul3A_2, %dma_wait3A_16] : memref<2x10240x8xf32, #tpu.memory_space<hbm>> -> memref<1x640x8xf32, #tpu.memory_space<hbm>>
      %dma_wait3A_18 = tpu.memref_squeeze %dma_wait3A_17 : memref<1x640x8xf32, #tpu.memory_space<hbm>> -> memref<640x8xf32, #tpu.memory_space<hbm>>
      tpu.wait_dma2 semaphore(%run_scoped3A : memref<!tpu.dma_semaphore, #tpu.memory_space<semaphore_mem>>) src(%arg8 : memref<640x8xf32, #tpu.memory_space<vmem>>) dst(%dma_wait3A_18 : memref<640x8xf32, #tpu.memory_space<hbm>>)
      tpu.yield
    }) : () -> ()
    return
  }
}

#map = affine_map<(d0, d1) -> (0, 0)>
#map1 = affine_map<(d0, d1) -> (0, 0, 0)>
module attributes {stable_mosaic.version = 14 : i64} {
  func.func @_sc_agg_body(%arg0: i32, %arg1: i32, %arg2: memref<10000x64xf32, #tpu.memory_space<hbm>>, %arg3: memref<32x125x80xi32, #tpu.memory_space<hbm>>, %arg4: memref<32x125x80xi32, #tpu.memory_space<hbm>>, %arg5: memref<10240x64xf32, #tpu.memory_space<hbm>>, %arg6: memref<2x10240x64xf32, #tpu.memory_space<hbm>>, %arg7: memref<125x80xi32, #tpu.memory_space<vmem>>, %arg8: memref<125x80xi32, #tpu.memory_space<vmem>>, %arg9: memref<5x80x64xf32, #tpu.memory_space<vmem>>, %arg10: memref<640x64xf32, #tpu.memory_space<vmem>>, %arg11: memref<10240x64xf32, #tpu.memory_space<vmem_shared>>, %arg12: memref<!tpu.dma_semaphore, #tpu.memory_space<semaphore_mem>>, %arg13: memref<!tpu.dma_semaphore, #tpu.memory_space<semaphore_mem>>, %arg14: memref<!tpu.dma_semaphore, #tpu.memory_space<semaphore_mem>>, %arg15: memref<!tpu.dma_semaphore, #tpu.memory_space<semaphore_mem>>, %arg16: memref<!tpu.dma_semaphore, #tpu.memory_space<semaphore_mem>>) attributes {dimension_semantics = [#tpu.dimension_semantics<core_parallel>, #tpu.dimension_semantics<subcore_parallel>], iteration_bounds = array<i64: 2, 16>, scalar_prefetch = 0 : i64, scratch_operands = 10 : i64, tpu.core_type = #tpu.core_type<sc_vector_subcore>, window_params = [{transform_indices = #map}, {transform_indices = #map1}, {transform_indices = #map1}, {transform_indices = #map}, {transform_indices = #map1}]} {
    %mul3A = arith.constant 16 : i32
    %mul3A_0 = arith.muli %arg0, %mul3A : i32
    %add3A = arith.addi %mul3A_0, %arg1 : i32
    %mul3A_1 = arith.constant 640 : i32
    %mul3A_2 = arith.muli %arg1, %mul3A_1 : i32
    "tpu.region"() ({
      %run_scoped3A = tpu.sem_alloc : memref<!tpu.dma_semaphore, #tpu.memory_space<semaphore_mem>>
      %dma_start3A_68 = arith.constant 0 : i32
      %dma_start3A_69 = tpu.memref_slice %arg5[%mul3A_2, %dma_start3A_68] : memref<10240x64xf32, #tpu.memory_space<hbm>> -> memref<640x64xf32, #tpu.memory_space<hbm>>
      %dma_start3A_70 = arith.constant 0 : i32
      %dma_start3A_71 = tpu.memref_slice %arg5[%mul3A_2, %dma_start3A_70] : memref<10240x64xf32, #tpu.memory_space<hbm>> -> memref<640x64xf32, #tpu.memory_space<hbm>>
      tpu.enqueue_dma source(%dma_start3A_71 : memref<640x64xf32, #tpu.memory_space<hbm>>) target(%arg10 : memref<640x64xf32, #tpu.memory_space<vmem>>) target_semaphore(%run_scoped3A : memref<!tpu.dma_semaphore, #tpu.memory_space<semaphore_mem>>)
      %dma_wait3A = arith.constant 0 : i32
      %dma_wait3A_72 = tpu.memref_slice %arg5[%mul3A_2, %dma_wait3A] : memref<10240x64xf32, #tpu.memory_space<hbm>> -> memref<640x64xf32, #tpu.memory_space<hbm>>
      %dma_wait3A_73 = arith.constant 0 : i32
      %dma_wait3A_74 = tpu.memref_slice %arg5[%mul3A_2, %dma_wait3A_73] : memref<10240x64xf32, #tpu.memory_space<hbm>> -> memref<640x64xf32, #tpu.memory_space<hbm>>
      tpu.wait_dma2 semaphore(%run_scoped3A : memref<!tpu.dma_semaphore, #tpu.memory_space<semaphore_mem>>) src(%dma_wait3A_74 : memref<640x64xf32, #tpu.memory_space<hbm>>) dst(%arg10 : memref<640x64xf32, #tpu.memory_space<vmem>>)
      tpu.yield
    }) : () -> ()
    "tpu.region"() ({
      %run_scoped3A = tpu.sem_alloc : memref<!tpu.dma_semaphore, #tpu.memory_space<semaphore_mem>>
      %dma_start3A_68 = arith.constant 0 : i32
      %dma_start3A_69 = tpu.memref_slice %arg11[%mul3A_2, %dma_start3A_68] : memref<10240x64xf32, #tpu.memory_space<vmem_shared>> -> memref<640x64xf32, #tpu.memory_space<vmem_shared>>
      %dma_start3A_70 = arith.constant 0 : i32
      %dma_start3A_71 = tpu.memref_slice %arg11[%mul3A_2, %dma_start3A_70] : memref<10240x64xf32, #tpu.memory_space<vmem_shared>> -> memref<640x64xf32, #tpu.memory_space<vmem_shared>>
      tpu.enqueue_dma source(%arg10 : memref<640x64xf32, #tpu.memory_space<vmem>>) target(%dma_start3A_71 : memref<640x64xf32, #tpu.memory_space<vmem_shared>>) target_semaphore(%run_scoped3A : memref<!tpu.dma_semaphore, #tpu.memory_space<semaphore_mem>>)
      %dma_wait3A = arith.constant 0 : i32
      %dma_wait3A_72 = tpu.memref_slice %arg11[%mul3A_2, %dma_wait3A] : memref<10240x64xf32, #tpu.memory_space<vmem_shared>> -> memref<640x64xf32, #tpu.memory_space<vmem_shared>>
      %dma_wait3A_73 = arith.constant 0 : i32
      %dma_wait3A_74 = tpu.memref_slice %arg11[%mul3A_2, %dma_wait3A_73] : memref<10240x64xf32, #tpu.memory_space<vmem_shared>> -> memref<640x64xf32, #tpu.memory_space<vmem_shared>>
      tpu.wait_dma2 semaphore(%run_scoped3A : memref<!tpu.dma_semaphore, #tpu.memory_space<semaphore_mem>>) src(%arg10 : memref<640x64xf32, #tpu.memory_space<vmem>>) dst(%dma_wait3A_74 : memref<640x64xf32, #tpu.memory_space<vmem_shared>>)
      tpu.yield
    }) : () -> ()
    "tpu.region"() ({
      %run_scoped3A = tpu.sem_alloc : memref<!tpu.dma_semaphore, #tpu.memory_space<semaphore_mem>>
      %dma_start3A_68 = arith.constant 0 : i32
      %dma_start3A_69 = arith.constant 0 : i32
      %dma_start3A_70 = tpu.memref_slice %arg3[%add3A, %dma_start3A_68, %dma_start3A_69] : memref<32x125x80xi32, #tpu.memory_space<hbm>> -> memref<1x125x80xi32, #tpu.memory_space<hbm>>
      %dma_start3A_71 = tpu.memref_squeeze %dma_start3A_70 : memref<1x125x80xi32, #tpu.memory_space<hbm>> -> memref<125x80xi32, #tpu.memory_space<hbm>>
      %dma_start3A_72 = arith.constant 0 : i32
      %dma_start3A_73 = arith.constant 0 : i32
      %dma_start3A_74 = tpu.memref_slice %arg3[%add3A, %dma_start3A_72, %dma_start3A_73] : memref<32x125x80xi32, #tpu.memory_space<hbm>> -> memref<1x125x80xi32, #tpu.memory_space<hbm>>
      %dma_start3A_75 = tpu.memref_squeeze %dma_start3A_74 : memref<1x125x80xi32, #tpu.memory_space<hbm>> -> memref<125x80xi32, #tpu.memory_space<hbm>>
      tpu.enqueue_dma source(%dma_start3A_75 : memref<125x80xi32, #tpu.memory_space<hbm>>) target(%arg7 : memref<125x80xi32, #tpu.memory_space<vmem>>) target_semaphore(%run_scoped3A : memref<!tpu.dma_semaphore, #tpu.memory_space<semaphore_mem>>)
      %dma_wait3A = arith.constant 0 : i32
      %dma_wait3A_76 = arith.constant 0 : i32
      %dma_wait3A_77 = tpu.memref_slice %arg3[%add3A, %dma_wait3A, %dma_wait3A_76] : memref<32x125x80xi32, #tpu.memory_space<hbm>> -> memref<1x125x80xi32, #tpu.memory_space<hbm>>
      %dma_wait3A_78 = tpu.memref_squeeze %dma_wait3A_77 : memref<1x125x80xi32, #tpu.memory_space<hbm>> -> memref<125x80xi32, #tpu.memory_space<hbm>>
      %dma_wait3A_79 = arith.constant 0 : i32
      %dma_wait3A_80 = arith.constant 0 : i32
      %dma_wait3A_81 = tpu.memref_slice %arg3[%add3A, %dma_wait3A_79, %dma_wait3A_80] : memref<32x125x80xi32, #tpu.memory_space<hbm>> -> memref<1x125x80xi32, #tpu.memory_space<hbm>>
      %dma_wait3A_82 = tpu.memref_squeeze %dma_wait3A_81 : memref<1x125x80xi32, #tpu.memory_space<hbm>> -> memref<125x80xi32, #tpu.memory_space<hbm>>
      tpu.wait_dma2 semaphore(%run_scoped3A : memref<!tpu.dma_semaphore, #tpu.memory_space<semaphore_mem>>) src(%dma_wait3A_82 : memref<125x80xi32, #tpu.memory_space<hbm>>) dst(%arg7 : memref<125x80xi32, #tpu.memory_space<vmem>>)
      tpu.yield
    }) : () -> ()
    "tpu.region"() ({
      %run_scoped3A = tpu.sem_alloc : memref<!tpu.dma_semaphore, #tpu.memory_space<semaphore_mem>>
      %dma_start3A_68 = arith.constant 0 : i32
      %dma_start3A_69 = arith.constant 0 : i32
      %dma_start3A_70 = tpu.memref_slice %arg4[%add3A, %dma_start3A_68, %dma_start3A_69] : memref<32x125x80xi32, #tpu.memory_space<hbm>> -> memref<1x125x80xi32, #tpu.memory_space<hbm>>
      %dma_start3A_71 = tpu.memref_squeeze %dma_start3A_70 : memref<1x125x80xi32, #tpu.memory_space<hbm>> -> memref<125x80xi32, #tpu.memory_space<hbm>>
      %dma_start3A_72 = arith.constant 0 : i32
      %dma_start3A_73 = arith.constant 0 : i32
      %dma_start3A_74 = tpu.memref_slice %arg4[%add3A, %dma_start3A_72, %dma_start3A_73] : memref<32x125x80xi32, #tpu.memory_space<hbm>> -> memref<1x125x80xi32, #tpu.memory_space<hbm>>
      %dma_start3A_75 = tpu.memref_squeeze %dma_start3A_74 : memref<1x125x80xi32, #tpu.memory_space<hbm>> -> memref<125x80xi32, #tpu.memory_space<hbm>>
      tpu.enqueue_dma source(%dma_start3A_75 : memref<125x80xi32, #tpu.memory_space<hbm>>) target(%arg8 : memref<125x80xi32, #tpu.memory_space<vmem>>) target_semaphore(%run_scoped3A : memref<!tpu.dma_semaphore, #tpu.memory_space<semaphore_mem>>)
      %dma_wait3A = arith.constant 0 : i32
      %dma_wait3A_76 = arith.constant 0 : i32
      %dma_wait3A_77 = tpu.memref_slice %arg4[%add3A, %dma_wait3A, %dma_wait3A_76] : memref<32x125x80xi32, #tpu.memory_space<hbm>> -> memref<1x125x80xi32, #tpu.memory_space<hbm>>
      %dma_wait3A_78 = tpu.memref_squeeze %dma_wait3A_77 : memref<1x125x80xi32, #tpu.memory_space<hbm>> -> memref<125x80xi32, #tpu.memory_space<hbm>>
      %dma_wait3A_79 = arith.constant 0 : i32
      %dma_wait3A_80 = arith.constant 0 : i32
      %dma_wait3A_81 = tpu.memref_slice %arg4[%add3A, %dma_wait3A_79, %dma_wait3A_80] : memref<32x125x80xi32, #tpu.memory_space<hbm>> -> memref<1x125x80xi32, #tpu.memory_space<hbm>>
      %dma_wait3A_82 = tpu.memref_squeeze %dma_wait3A_81 : memref<1x125x80xi32, #tpu.memory_space<hbm>> -> memref<125x80xi32, #tpu.memory_space<hbm>>
      tpu.wait_dma2 semaphore(%run_scoped3A : memref<!tpu.dma_semaphore, #tpu.memory_space<semaphore_mem>>) src(%dma_wait3A_82 : memref<125x80xi32, #tpu.memory_space<hbm>>) dst(%arg8 : memref<125x80xi32, #tpu.memory_space<vmem>>)
      tpu.yield
    }) : () -> ()
    %barrier3A = arith.constant 0 : index
    tpu.barrier barrier_id(%barrier3A)
    %dma_start3A = arith.constant 0 : i32
    %dma_start3A_3 = arith.constant 0 : i32
    %dma_start3A_4 = arith.constant 0 : i32
    %dma_start3A_5 = arith.constant 0 : i32
    %dma_start3A_6 = tpu.memref_slice %arg9[%dma_start3A_3, %dma_start3A_4, %dma_start3A_5] : memref<5x80x64xf32, #tpu.memory_space<vmem>> -> memref<1x80x64xf32, #tpu.memory_space<vmem>>
    %dma_start3A_7 = tpu.memref_squeeze %dma_start3A_6 : memref<1x80x64xf32, #tpu.memory_space<vmem>> -> memref<80x64xf32, #tpu.memory_space<vmem>>
    %dma_start3A_8 = arith.constant 0 : i32
    %dma_start3A_9 = tpu.memref_slice %arg7[%dma_start3A, %dma_start3A_8] : memref<125x80xi32, #tpu.memory_space<vmem>> -> memref<1x80xi32, #tpu.memory_space<vmem>>
    %dma_start3A_10 = tpu.memref_squeeze %dma_start3A_9 : memref<1x80xi32, #tpu.memory_space<vmem>> -> memref<80xi32, #tpu.memory_space<vmem>>
    %dma_start3A_11 = arith.constant 0 : i32
    %dma_start3A_12 = arith.constant 0 : i32
    %dma_start3A_13 = tpu.memref_slice %arg2[%dma_start3A_11, %dma_start3A_12] : memref<10000x64xf32, #tpu.memory_space<hbm>> -> memref<10000x64xf32, #tpu.memory_space<hbm>>
    tpu.enqueue_indirect_dma source(%dma_start3A_13 : memref<10000x64xf32, #tpu.memory_space<hbm>>) target(%dma_start3A_7 : memref<80x64xf32, #tpu.memory_space<vmem>>) offsets(%dma_start3A_10 : memref<80xi32, #tpu.memory_space<vmem>>) semaphore(%arg12 : memref<!tpu.dma_semaphore, #tpu.memory_space<semaphore_mem>>)
    %dma_start3A_14 = arith.constant 1 : i32
    %dma_start3A_15 = arith.constant 1 : i32
    %dma_start3A_16 = arith.constant 0 : i32
    %dma_start3A_17 = arith.constant 0 : i32
    %dma_start3A_18 = tpu.memref_slice %arg9[%dma_start3A_15, %dma_start3A_16, %dma_start3A_17] : memref<5x80x64xf32, #tpu.memory_space<vmem>> -> memref<1x80x64xf32, #tpu.memory_space<vmem>>
    %dma_start3A_19 = tpu.memref_squeeze %dma_start3A_18 : memref<1x80x64xf32, #tpu.memory_space<vmem>> -> memref<80x64xf32, #tpu.memory_space<vmem>>
    %dma_start3A_20 = arith.constant 0 : i32
    %dma_start3A_21 = tpu.memref_slice %arg7[%dma_start3A_14, %dma_start3A_20] : memref<125x80xi32, #tpu.memory_space<vmem>> -> memref<1x80xi32, #tpu.memory_space<vmem>>
    %dma_start3A_22 = tpu.memref_squeeze %dma_start3A_21 : memref<1x80xi32, #tpu.memory_space<vmem>> -> memref<80xi32, #tpu.memory_space<vmem>>
    %dma_start3A_23 = arith.constant 0 : i32
    %dma_start3A_24 = arith.constant 0 : i32
    %dma_start3A_25 = tpu.memref_slice %arg2[%dma_start3A_23, %dma_start3A_24] : memref<10000x64xf32, #tpu.memory_space<hbm>> -> memref<10000x64xf32, #tpu.memory_space<hbm>>
    tpu.enqueue_indirect_dma source(%dma_start3A_25 : memref<10000x64xf32, #tpu.memory_space<hbm>>) target(%dma_start3A_19 : memref<80x64xf32, #tpu.memory_space<vmem>>) offsets(%dma_start3A_22 : memref<80xi32, #tpu.memory_space<vmem>>) semaphore(%arg13 : memref<!tpu.dma_semaphore, #tpu.memory_space<semaphore_mem>>)
    %dma_start3A_26 = arith.constant 2 : i32
    %dma_start3A_27 = arith.constant 2 : i32
    %dma_start3A_28 = arith.constant 0 : i32
    %dma_start3A_29 = arith.constant 0 : i32
    %dma_start3A_30 = tpu.memref_slice %arg9[%dma_start3A_27, %dma_start3A_28, %dma_start3A_29] : memref<5x80x64xf32, #tpu.memory_space<vmem>> -> memref<1x80x64xf32, #tpu.memory_space<vmem>>
    %dma_start3A_31 = tpu.memref_squeeze %dma_start3A_30 : memref<1x80x64xf32, #tpu.memory_space<vmem>> -> memref<80x64xf32, #tpu.memory_space<vmem>>
    %dma_start3A_32 = arith.constant 0 : i32
    %dma_start3A_33 = tpu.memref_slice %arg7[%dma_start3A_26, %dma_start3A_32] : memref<125x80xi32, #tpu.memory_space<vmem>> -> memref<1x80xi32, #tpu.memory_space<vmem>>
    %dma_start3A_34 = tpu.memref_squeeze %dma_start3A_33 : memref<1x80xi32, #tpu.memory_space<vmem>> -> memref<80xi32, #tpu.memory_space<vmem>>
    %dma_start3A_35 = arith.constant 0 : i32
    %dma_start3A_36 = arith.constant 0 : i32
    %dma_start3A_37 = tpu.memref_slice %arg2[%dma_start3A_35, %dma_start3A_36] : memref<10000x64xf32, #tpu.memory_space<hbm>> -> memref<10000x64xf32, #tpu.memory_space<hbm>>
    tpu.enqueue_indirect_dma source(%dma_start3A_37 : memref<10000x64xf32, #tpu.memory_space<hbm>>) target(%dma_start3A_31 : memref<80x64xf32, #tpu.memory_space<vmem>>) offsets(%dma_start3A_34 : memref<80xi32, #tpu.memory_space<vmem>>) semaphore(%arg14 : memref<!tpu.dma_semaphore, #tpu.memory_space<semaphore_mem>>)
    %dma_start3A_38 = arith.constant 3 : i32
    %dma_start3A_39 = arith.constant 3 : i32
    %dma_start3A_40 = arith.constant 0 : i32
    %dma_start3A_41 = arith.constant 0 : i32
    %dma_start3A_42 = tpu.memref_slice %arg9[%dma_start3A_39, %dma_start3A_40, %dma_start3A_41] : memref<5x80x64xf32, #tpu.memory_space<vmem>> -> memref<1x80x64xf32, #tpu.memory_space<vmem>>
    %dma_start3A_43 = tpu.memref_squeeze %dma_start3A_42 : memref<1x80x64xf32, #tpu.memory_space<vmem>> -> memref<80x64xf32, #tpu.memory_space<vmem>>
    %dma_start3A_44 = arith.constant 0 : i32
    %dma_start3A_45 = tpu.memref_slice %arg7[%dma_start3A_38, %dma_start3A_44] : memref<125x80xi32, #tpu.memory_space<vmem>> -> memref<1x80xi32, #tpu.memory_space<vmem>>
    %dma_start3A_46 = tpu.memref_squeeze %dma_start3A_45 : memref<1x80xi32, #tpu.memory_space<vmem>> -> memref<80xi32, #tpu.memory_space<vmem>>
    %dma_start3A_47 = arith.constant 0 : i32
    %dma_start3A_48 = arith.constant 0 : i32
    %dma_start3A_49 = tpu.memref_slice %arg2[%dma_start3A_47, %dma_start3A_48] : memref<10000x64xf32, #tpu.memory_space<hbm>> -> memref<10000x64xf32, #tpu.memory_space<hbm>>
    tpu.enqueue_indirect_dma source(%dma_start3A_49 : memref<10000x64xf32, #tpu.memory_space<hbm>>) target(%dma_start3A_43 : memref<80x64xf32, #tpu.memory_space<vmem>>) offsets(%dma_start3A_46 : memref<80xi32, #tpu.memory_space<vmem>>) semaphore(%arg15 : memref<!tpu.dma_semaphore, #tpu.memory_space<semaphore_mem>>)
    %dma_start3A_50 = arith.constant 4 : i32
    %dma_start3A_51 = arith.constant 4 : i32
    %dma_start3A_52 = arith.constant 0 : i32
    %dma_start3A_53 = arith.constant 0 : i32
    %dma_start3A_54 = tpu.memref_slice %arg9[%dma_start3A_51, %dma_start3A_52, %dma_start3A_53] : memref<5x80x64xf32, #tpu.memory_space<vmem>> -> memref<1x80x64xf32, #tpu.memory_space<vmem>>
    %dma_start3A_55 = tpu.memref_squeeze %dma_start3A_54 : memref<1x80x64xf32, #tpu.memory_space<vmem>> -> memref<80x64xf32, #tpu.memory_space<vmem>>
    %dma_start3A_56 = arith.constant 0 : i32
    %dma_start3A_57 = tpu.memref_slice %arg7[%dma_start3A_50, %dma_start3A_56] : memref<125x80xi32, #tpu.memory_space<vmem>> -> memref<1x80xi32, #tpu.memory_space<vmem>>
    %dma_start3A_58 = tpu.memref_squeeze %dma_start3A_57 : memref<1x80xi32, #tpu.memory_space<vmem>> -> memref<80xi32, #tpu.memory_space<vmem>>
    %dma_start3A_59 = arith.constant 0 : i32
    %dma_start3A_60 = arith.constant 0 : i32
    %dma_start3A_61 = tpu.memref_slice %arg2[%dma_start3A_59, %dma_start3A_60] : memref<10000x64xf32, #tpu.memory_space<hbm>> -> memref<10000x64xf32, #tpu.memory_space<hbm>>
    tpu.enqueue_indirect_dma source(%dma_start3A_61 : memref<10000x64xf32, #tpu.memory_space<hbm>>) target(%dma_start3A_55 : memref<80x64xf32, #tpu.memory_space<vmem>>) offsets(%dma_start3A_58 : memref<80xi32, #tpu.memory_space<vmem>>) semaphore(%arg16 : memref<!tpu.dma_semaphore, #tpu.memory_space<semaphore_mem>>)
    %scan3A = arith.constant 0 : i32
    %scan3A_62 = arith.constant 0 : i32
    %scan3A_63 = arith.constant 25 : i32
    %scan3A_64 = arith.addi %scan3A_62, %scan3A_63 : i32
    %scan3A_65 = arith.constant 1 : i32
    scf.for %scan3A_68 = %scan3A_62 to %scan3A_64 step %scan3A_65  : i32 {
      %mul3A_69 = arith.constant 5 : i32
      %mul3A_70 = arith.muli %scan3A_68, %mul3A_69 : i32
      %add3A_71 = arith.constant 0 : i32
      %add3A_72 = arith.addi %mul3A_70, %add3A_71 : i32
      %dma_wait3A = arith.constant 0 : i32
      %dma_wait3A_73 = arith.constant 0 : i32
      %dma_wait3A_74 = arith.constant 0 : i32
      %dma_wait3A_75 = tpu.memref_slice %arg9[%dma_wait3A, %dma_wait3A_73, %dma_wait3A_74] : memref<5x80x64xf32, #tpu.memory_space<vmem>> -> memref<1x80x64xf32, #tpu.memory_space<vmem>>
      %dma_wait3A_76 = tpu.memref_squeeze %dma_wait3A_75 : memref<1x80x64xf32, #tpu.memory_space<vmem>> -> memref<80x64xf32, #tpu.memory_space<vmem>>
      %dma_wait3A_77 = arith.constant 0 : i32
      %dma_wait3A_78 = tpu.memref_slice %arg7[%add3A_72, %dma_wait3A_77] : memref<125x80xi32, #tpu.memory_space<vmem>> -> memref<1x80xi32, #tpu.memory_space<vmem>>
      %dma_wait3A_79 = tpu.memref_squeeze %dma_wait3A_78 : memref<1x80xi32, #tpu.memory_space<vmem>> -> memref<80xi32, #tpu.memory_space<vmem>>
      %dma_wait3A_80 = arith.constant 0 : i32
      %dma_wait3A_81 = arith.constant 0 : i32
      %dma_wait3A_82 = tpu.memref_slice %arg2[%dma_wait3A_80, %dma_wait3A_81] : memref<10000x64xf32, #tpu.memory_space<hbm>> -> memref<10000x64xf32, #tpu.memory_space<hbm>>
      tpu.wait_indirect_dma semaphore(%arg12 : memref<!tpu.dma_semaphore, #tpu.memory_space<semaphore_mem>>) src(%dma_wait3A_82 : memref<10000x64xf32, #tpu.memory_space<hbm>>) dst(%dma_wait3A_76 : memref<80x64xf32, #tpu.memory_space<vmem>>)
      %run_scoped3A = arith.constant 0 : i32
      "tpu.region"() ({
        %run_scoped3A_179 = tpu.sem_alloc : memref<!tpu.dma_semaphore, #tpu.memory_space<semaphore_mem>>
        %dma_start3A_180 = arith.constant 0 : i32
        %dma_start3A_181 = arith.constant 0 : i32
        %dma_start3A_182 = tpu.memref_slice %arg9[%run_scoped3A, %dma_start3A_180, %dma_start3A_181] : memref<5x80x64xf32, #tpu.memory_space<vmem>> -> memref<1x80x64xf32, #tpu.memory_space<vmem>>
        %dma_start3A_183 = tpu.memref_squeeze %dma_start3A_182 : memref<1x80x64xf32, #tpu.memory_space<vmem>> -> memref<80x64xf32, #tpu.memory_space<vmem>>
        %dma_start3A_184 = arith.constant 0 : i32
        %dma_start3A_185 = tpu.memref_slice %arg8[%add3A_72, %dma_start3A_184] : memref<125x80xi32, #tpu.memory_space<vmem>> -> memref<1x80xi32, #tpu.memory_space<vmem>>
        %dma_start3A_186 = tpu.memref_squeeze %dma_start3A_185 : memref<1x80xi32, #tpu.memory_space<vmem>> -> memref<80xi32, #tpu.memory_space<vmem>>
        %dma_start3A_187 = arith.constant 0 : i32
        %dma_start3A_188 = arith.constant 0 : i32
        %dma_start3A_189 = tpu.memref_slice %arg11[%dma_start3A_187, %dma_start3A_188] : memref<10240x64xf32, #tpu.memory_space<vmem_shared>> -> memref<10240x64xf32, #tpu.memory_space<vmem_shared>>
        tpu.enqueue_indirect_dma source(%dma_start3A_183 : memref<80x64xf32, #tpu.memory_space<vmem>>) target(%dma_start3A_189 : memref<10240x64xf32, #tpu.memory_space<vmem_shared>>) offsets(%dma_start3A_186 : memref<80xi32, #tpu.memory_space<vmem>>) semaphore(%run_scoped3A_179 : memref<!tpu.dma_semaphore, #tpu.memory_space<semaphore_mem>>) {add = true}
        %dma_wait3A_190 = arith.constant 0 : i32
        %dma_wait3A_191 = arith.constant 0 : i32
        %dma_wait3A_192 = tpu.memref_slice %arg9[%run_scoped3A, %dma_wait3A_190, %dma_wait3A_191] : memref<5x80x64xf32, #tpu.memory_space<vmem>> -> memref<1x80x64xf32, #tpu.memory_space<vmem>>
        %dma_wait3A_193 = tpu.memref_squeeze %dma_wait3A_192 : memref<1x80x64xf32, #tpu.memory_space<vmem>> -> memref<80x64xf32, #tpu.memory_space<vmem>>
        %dma_wait3A_194 = arith.constant 0 : i32
        %dma_wait3A_195 = tpu.memref_slice %arg8[%add3A_72, %dma_wait3A_194] : memref<125x80xi32, #tpu.memory_space<vmem>> -> memref<1x80xi32, #tpu.memory_space<vmem>>
        %dma_wait3A_196 = tpu.memref_squeeze %dma_wait3A_195 : memref<1x80xi32, #tpu.memory_space<vmem>> -> memref<80xi32, #tpu.memory_space<vmem>>
        %dma_wait3A_197 = arith.constant 0 : i32
        %dma_wait3A_198 = arith.constant 0 : i32
        %dma_wait3A_199 = tpu.memref_slice %arg11[%dma_wait3A_197, %dma_wait3A_198] : memref<10240x64xf32, #tpu.memory_space<vmem_shared>> -> memref<10240x64xf32, #tpu.memory_space<vmem_shared>>
        tpu.wait_indirect_dma semaphore(%run_scoped3A_179 : memref<!tpu.dma_semaphore, #tpu.memory_space<semaphore_mem>>) src(%dma_wait3A_193 : memref<80x64xf32, #tpu.memory_space<vmem>>) dst(%dma_wait3A_199 : memref<10240x64xf32, #tpu.memory_space<vmem_shared>>)
        tpu.yield
      }) : () -> ()
      %add3A_83 = arith.constant 5 : i32
      %add3A_84 = arith.addi %add3A_72, %add3A_83 : i32
      %lt3A = arith.constant 125 : i32
      %lt3A_85 = arith.cmpi slt, %add3A_84, %lt3A : i32
      %convert_element_type3A = arith.extui %lt3A_85 : i1 to i32
      %cond3A = arith.constant 0 : i32
      %cond3A_86 = arith.cmpi ne, %convert_element_type3A, %cond3A : i32
      scf.if %cond3A_86 {
        %dma_start3A_179 = arith.constant 0 : i32
        %dma_start3A_180 = arith.constant 0 : i32
        %dma_start3A_181 = arith.constant 0 : i32
        %dma_start3A_182 = tpu.memref_slice %arg9[%dma_start3A_179, %dma_start3A_180, %dma_start3A_181] : memref<5x80x64xf32, #tpu.memory_space<vmem>> -> memref<1x80x64xf32, #tpu.memory_space<vmem>>
        %dma_start3A_183 = tpu.memref_squeeze %dma_start3A_182 : memref<1x80x64xf32, #tpu.memory_space<vmem>> -> memref<80x64xf32, #tpu.memory_space<vmem>>
        %dma_start3A_184 = arith.constant 0 : i32
        %dma_start3A_185 = tpu.memref_slice %arg7[%add3A_84, %dma_start3A_184] : memref<125x80xi32, #tpu.memory_space<vmem>> -> memref<1x80xi32, #tpu.memory_space<vmem>>
        %dma_start3A_186 = tpu.memref_squeeze %dma_start3A_185 : memref<1x80xi32, #tpu.memory_space<vmem>> -> memref<80xi32, #tpu.memory_space<vmem>>
        %dma_start3A_187 = arith.constant 0 : i32
        %dma_start3A_188 = arith.constant 0 : i32
        %dma_start3A_189 = tpu.memref_slice %arg2[%dma_start3A_187, %dma_start3A_188] : memref<10000x64xf32, #tpu.memory_space<hbm>> -> memref<10000x64xf32, #tpu.memory_space<hbm>>
        tpu.enqueue_indirect_dma source(%dma_start3A_189 : memref<10000x64xf32, #tpu.memory_space<hbm>>) target(%dma_start3A_183 : memref<80x64xf32, #tpu.memory_space<vmem>>) offsets(%dma_start3A_186 : memref<80xi32, #tpu.memory_space<vmem>>) semaphore(%arg12 : memref<!tpu.dma_semaphore, #tpu.memory_space<semaphore_mem>>)
      } else {
      }
      %mul3A_87 = arith.constant 5 : i32
      %mul3A_88 = arith.muli %scan3A_68, %mul3A_87 : i32
      %add3A_89 = arith.constant 1 : i32
      %add3A_90 = arith.addi %mul3A_88, %add3A_89 : i32
      %dma_wait3A_91 = arith.constant 1 : i32
      %dma_wait3A_92 = arith.constant 0 : i32
      %dma_wait3A_93 = arith.constant 0 : i32
      %dma_wait3A_94 = tpu.memref_slice %arg9[%dma_wait3A_91, %dma_wait3A_92, %dma_wait3A_93] : memref<5x80x64xf32, #tpu.memory_space<vmem>> -> memref<1x80x64xf32, #tpu.memory_space<vmem>>
      %dma_wait3A_95 = tpu.memref_squeeze %dma_wait3A_94 : memref<1x80x64xf32, #tpu.memory_space<vmem>> -> memref<80x64xf32, #tpu.memory_space<vmem>>
      %dma_wait3A_96 = arith.constant 0 : i32
      %dma_wait3A_97 = tpu.memref_slice %arg7[%add3A_90, %dma_wait3A_96] : memref<125x80xi32, #tpu.memory_space<vmem>> -> memref<1x80xi32, #tpu.memory_space<vmem>>
      %dma_wait3A_98 = tpu.memref_squeeze %dma_wait3A_97 : memref<1x80xi32, #tpu.memory_space<vmem>> -> memref<80xi32, #tpu.memory_space<vmem>>
      %dma_wait3A_99 = arith.constant 0 : i32
      %dma_wait3A_100 = arith.constant 0 : i32
      %dma_wait3A_101 = tpu.memref_slice %arg2[%dma_wait3A_99, %dma_wait3A_100] : memref<10000x64xf32, #tpu.memory_space<hbm>> -> memref<10000x64xf32, #tpu.memory_space<hbm>>
      tpu.wait_indirect_dma semaphore(%arg13 : memref<!tpu.dma_semaphore, #tpu.memory_space<semaphore_mem>>) src(%dma_wait3A_101 : memref<10000x64xf32, #tpu.memory_space<hbm>>) dst(%dma_wait3A_95 : memref<80x64xf32, #tpu.memory_space<vmem>>)
      %run_scoped3A_102 = arith.constant 1 : i32
      "tpu.region"() ({
        %run_scoped3A_179 = tpu.sem_alloc : memref<!tpu.dma_semaphore, #tpu.memory_space<semaphore_mem>>
        %dma_start3A_180 = arith.constant 0 : i32
        %dma_start3A_181 = arith.constant 0 : i32
        %dma_start3A_182 = tpu.memref_slice %arg9[%run_scoped3A_102, %dma_start3A_180, %dma_start3A_181] : memref<5x80x64xf32, #tpu.memory_space<vmem>> -> memref<1x80x64xf32, #tpu.memory_space<vmem>>
        %dma_start3A_183 = tpu.memref_squeeze %dma_start3A_182 : memref<1x80x64xf32, #tpu.memory_space<vmem>> -> memref<80x64xf32, #tpu.memory_space<vmem>>
        %dma_start3A_184 = arith.constant 0 : i32
        %dma_start3A_185 = tpu.memref_slice %arg8[%add3A_90, %dma_start3A_184] : memref<125x80xi32, #tpu.memory_space<vmem>> -> memref<1x80xi32, #tpu.memory_space<vmem>>
        %dma_start3A_186 = tpu.memref_squeeze %dma_start3A_185 : memref<1x80xi32, #tpu.memory_space<vmem>> -> memref<80xi32, #tpu.memory_space<vmem>>
        %dma_start3A_187 = arith.constant 0 : i32
        %dma_start3A_188 = arith.constant 0 : i32
        %dma_start3A_189 = tpu.memref_slice %arg11[%dma_start3A_187, %dma_start3A_188] : memref<10240x64xf32, #tpu.memory_space<vmem_shared>> -> memref<10240x64xf32, #tpu.memory_space<vmem_shared>>
        tpu.enqueue_indirect_dma source(%dma_start3A_183 : memref<80x64xf32, #tpu.memory_space<vmem>>) target(%dma_start3A_189 : memref<10240x64xf32, #tpu.memory_space<vmem_shared>>) offsets(%dma_start3A_186 : memref<80xi32, #tpu.memory_space<vmem>>) semaphore(%run_scoped3A_179 : memref<!tpu.dma_semaphore, #tpu.memory_space<semaphore_mem>>) {add = true}
        %dma_wait3A_190 = arith.constant 0 : i32
        %dma_wait3A_191 = arith.constant 0 : i32
        %dma_wait3A_192 = tpu.memref_slice %arg9[%run_scoped3A_102, %dma_wait3A_190, %dma_wait3A_191] : memref<5x80x64xf32, #tpu.memory_space<vmem>> -> memref<1x80x64xf32, #tpu.memory_space<vmem>>
        %dma_wait3A_193 = tpu.memref_squeeze %dma_wait3A_192 : memref<1x80x64xf32, #tpu.memory_space<vmem>> -> memref<80x64xf32, #tpu.memory_space<vmem>>
        %dma_wait3A_194 = arith.constant 0 : i32
        %dma_wait3A_195 = tpu.memref_slice %arg8[%add3A_90, %dma_wait3A_194] : memref<125x80xi32, #tpu.memory_space<vmem>> -> memref<1x80xi32, #tpu.memory_space<vmem>>
        %dma_wait3A_196 = tpu.memref_squeeze %dma_wait3A_195 : memref<1x80xi32, #tpu.memory_space<vmem>> -> memref<80xi32, #tpu.memory_space<vmem>>
        %dma_wait3A_197 = arith.constant 0 : i32
        %dma_wait3A_198 = arith.constant 0 : i32
        %dma_wait3A_199 = tpu.memref_slice %arg11[%dma_wait3A_197, %dma_wait3A_198] : memref<10240x64xf32, #tpu.memory_space<vmem_shared>> -> memref<10240x64xf32, #tpu.memory_space<vmem_shared>>
        tpu.wait_indirect_dma semaphore(%run_scoped3A_179 : memref<!tpu.dma_semaphore, #tpu.memory_space<semaphore_mem>>) src(%dma_wait3A_193 : memref<80x64xf32, #tpu.memory_space<vmem>>) dst(%dma_wait3A_199 : memref<10240x64xf32, #tpu.memory_space<vmem_shared>>)
        tpu.yield
      }) : () -> ()
      %add3A_103 = arith.constant 5 : i32
      %add3A_104 = arith.addi %add3A_90, %add3A_103 : i32
      %lt3A_105 = arith.constant 125 : i32
      %lt3A_106 = arith.cmpi slt, %add3A_104, %lt3A_105 : i32
      %convert_element_type3A_107 = arith.extui %lt3A_106 : i1 to i32
      %cond3A_108 = arith.constant 0 : i32
      %cond3A_109 = arith.cmpi ne, %convert_element_type3A_107, %cond3A_108 : i32
      scf.if %cond3A_109 {
        %dma_start3A_179 = arith.constant 1 : i32
        %dma_start3A_180 = arith.constant 0 : i32
        %dma_start3A_181 = arith.constant 0 : i32
        %dma_start3A_182 = tpu.memref_slice %arg9[%dma_start3A_179, %dma_start3A_180, %dma_start3A_181] : memref<5x80x64xf32, #tpu.memory_space<vmem>> -> memref<1x80x64xf32, #tpu.memory_space<vmem>>
        %dma_start3A_183 = tpu.memref_squeeze %dma_start3A_182 : memref<1x80x64xf32, #tpu.memory_space<vmem>> -> memref<80x64xf32, #tpu.memory_space<vmem>>
        %dma_start3A_184 = arith.constant 0 : i32
        %dma_start3A_185 = tpu.memref_slice %arg7[%add3A_104, %dma_start3A_184] : memref<125x80xi32, #tpu.memory_space<vmem>> -> memref<1x80xi32, #tpu.memory_space<vmem>>
        %dma_start3A_186 = tpu.memref_squeeze %dma_start3A_185 : memref<1x80xi32, #tpu.memory_space<vmem>> -> memref<80xi32, #tpu.memory_space<vmem>>
        %dma_start3A_187 = arith.constant 0 : i32
        %dma_start3A_188 = arith.constant 0 : i32
        %dma_start3A_189 = tpu.memref_slice %arg2[%dma_start3A_187, %dma_start3A_188] : memref<10000x64xf32, #tpu.memory_space<hbm>> -> memref<10000x64xf32, #tpu.memory_space<hbm>>
        tpu.enqueue_indirect_dma source(%dma_start3A_189 : memref<10000x64xf32, #tpu.memory_space<hbm>>) target(%dma_start3A_183 : memref<80x64xf32, #tpu.memory_space<vmem>>) offsets(%dma_start3A_186 : memref<80xi32, #tpu.memory_space<vmem>>) semaphore(%arg13 : memref<!tpu.dma_semaphore, #tpu.memory_space<semaphore_mem>>)
      } else {
      }
      %mul3A_110 = arith.constant 5 : i32
      %mul3A_111 = arith.muli %scan3A_68, %mul3A_110 : i32
      %add3A_112 = arith.constant 2 : i32
      %add3A_113 = arith.addi %mul3A_111, %add3A_112 : i32
      %dma_wait3A_114 = arith.constant 2 : i32
      %dma_wait3A_115 = arith.constant 0 : i32
      %dma_wait3A_116 = arith.constant 0 : i32
      %dma_wait3A_117 = tpu.memref_slice %arg9[%dma_wait3A_114, %dma_wait3A_115, %dma_wait3A_116] : memref<5x80x64xf32, #tpu.memory_space<vmem>> -> memref<1x80x64xf32, #tpu.memory_space<vmem>>
      %dma_wait3A_118 = tpu.memref_squeeze %dma_wait3A_117 : memref<1x80x64xf32, #tpu.memory_space<vmem>> -> memref<80x64xf32, #tpu.memory_space<vmem>>
      %dma_wait3A_119 = arith.constant 0 : i32
      %dma_wait3A_120 = tpu.memref_slice %arg7[%add3A_113, %dma_wait3A_119] : memref<125x80xi32, #tpu.memory_space<vmem>> -> memref<1x80xi32, #tpu.memory_space<vmem>>
      %dma_wait3A_121 = tpu.memref_squeeze %dma_wait3A_120 : memref<1x80xi32, #tpu.memory_space<vmem>> -> memref<80xi32, #tpu.memory_space<vmem>>
      %dma_wait3A_122 = arith.constant 0 : i32
      %dma_wait3A_123 = arith.constant 0 : i32
      %dma_wait3A_124 = tpu.memref_slice %arg2[%dma_wait3A_122, %dma_wait3A_123] : memref<10000x64xf32, #tpu.memory_space<hbm>> -> memref<10000x64xf32, #tpu.memory_space<hbm>>
      tpu.wait_indirect_dma semaphore(%arg14 : memref<!tpu.dma_semaphore, #tpu.memory_space<semaphore_mem>>) src(%dma_wait3A_124 : memref<10000x64xf32, #tpu.memory_space<hbm>>) dst(%dma_wait3A_118 : memref<80x64xf32, #tpu.memory_space<vmem>>)
      %run_scoped3A_125 = arith.constant 2 : i32
      "tpu.region"() ({
        %run_scoped3A_179 = tpu.sem_alloc : memref<!tpu.dma_semaphore, #tpu.memory_space<semaphore_mem>>
        %dma_start3A_180 = arith.constant 0 : i32
        %dma_start3A_181 = arith.constant 0 : i32
        %dma_start3A_182 = tpu.memref_slice %arg9[%run_scoped3A_125, %dma_start3A_180, %dma_start3A_181] : memref<5x80x64xf32, #tpu.memory_space<vmem>> -> memref<1x80x64xf32, #tpu.memory_space<vmem>>
        %dma_start3A_183 = tpu.memref_squeeze %dma_start3A_182 : memref<1x80x64xf32, #tpu.memory_space<vmem>> -> memref<80x64xf32, #tpu.memory_space<vmem>>
        %dma_start3A_184 = arith.constant 0 : i32
        %dma_start3A_185 = tpu.memref_slice %arg8[%add3A_113, %dma_start3A_184] : memref<125x80xi32, #tpu.memory_space<vmem>> -> memref<1x80xi32, #tpu.memory_space<vmem>>
        %dma_start3A_186 = tpu.memref_squeeze %dma_start3A_185 : memref<1x80xi32, #tpu.memory_space<vmem>> -> memref<80xi32, #tpu.memory_space<vmem>>
        %dma_start3A_187 = arith.constant 0 : i32
        %dma_start3A_188 = arith.constant 0 : i32
        %dma_start3A_189 = tpu.memref_slice %arg11[%dma_start3A_187, %dma_start3A_188] : memref<10240x64xf32, #tpu.memory_space<vmem_shared>> -> memref<10240x64xf32, #tpu.memory_space<vmem_shared>>
        tpu.enqueue_indirect_dma source(%dma_start3A_183 : memref<80x64xf32, #tpu.memory_space<vmem>>) target(%dma_start3A_189 : memref<10240x64xf32, #tpu.memory_space<vmem_shared>>) offsets(%dma_start3A_186 : memref<80xi32, #tpu.memory_space<vmem>>) semaphore(%run_scoped3A_179 : memref<!tpu.dma_semaphore, #tpu.memory_space<semaphore_mem>>) {add = true}
        %dma_wait3A_190 = arith.constant 0 : i32
        %dma_wait3A_191 = arith.constant 0 : i32
        %dma_wait3A_192 = tpu.memref_slice %arg9[%run_scoped3A_125, %dma_wait3A_190, %dma_wait3A_191] : memref<5x80x64xf32, #tpu.memory_space<vmem>> -> memref<1x80x64xf32, #tpu.memory_space<vmem>>
        %dma_wait3A_193 = tpu.memref_squeeze %dma_wait3A_192 : memref<1x80x64xf32, #tpu.memory_space<vmem>> -> memref<80x64xf32, #tpu.memory_space<vmem>>
        %dma_wait3A_194 = arith.constant 0 : i32
        %dma_wait3A_195 = tpu.memref_slice %arg8[%add3A_113, %dma_wait3A_194] : memref<125x80xi32, #tpu.memory_space<vmem>> -> memref<1x80xi32, #tpu.memory_space<vmem>>
        %dma_wait3A_196 = tpu.memref_squeeze %dma_wait3A_195 : memref<1x80xi32, #tpu.memory_space<vmem>> -> memref<80xi32, #tpu.memory_space<vmem>>
        %dma_wait3A_197 = arith.constant 0 : i32
        %dma_wait3A_198 = arith.constant 0 : i32
        %dma_wait3A_199 = tpu.memref_slice %arg11[%dma_wait3A_197, %dma_wait3A_198] : memref<10240x64xf32, #tpu.memory_space<vmem_shared>> -> memref<10240x64xf32, #tpu.memory_space<vmem_shared>>
        tpu.wait_indirect_dma semaphore(%run_scoped3A_179 : memref<!tpu.dma_semaphore, #tpu.memory_space<semaphore_mem>>) src(%dma_wait3A_193 : memref<80x64xf32, #tpu.memory_space<vmem>>) dst(%dma_wait3A_199 : memref<10240x64xf32, #tpu.memory_space<vmem_shared>>)
        tpu.yield
      }) : () -> ()
      %add3A_126 = arith.constant 5 : i32
      %add3A_127 = arith.addi %add3A_113, %add3A_126 : i32
      %lt3A_128 = arith.constant 125 : i32
      %lt3A_129 = arith.cmpi slt, %add3A_127, %lt3A_128 : i32
      %convert_element_type3A_130 = arith.extui %lt3A_129 : i1 to i32
      %cond3A_131 = arith.constant 0 : i32
      %cond3A_132 = arith.cmpi ne, %convert_element_type3A_130, %cond3A_131 : i32
      scf.if %cond3A_132 {
        %dma_start3A_179 = arith.constant 2 : i32
        %dma_start3A_180 = arith.constant 0 : i32
        %dma_start3A_181 = arith.constant 0 : i32
        %dma_start3A_182 = tpu.memref_slice %arg9[%dma_start3A_179, %dma_start3A_180, %dma_start3A_181] : memref<5x80x64xf32, #tpu.memory_space<vmem>> -> memref<1x80x64xf32, #tpu.memory_space<vmem>>
        %dma_start3A_183 = tpu.memref_squeeze %dma_start3A_182 : memref<1x80x64xf32, #tpu.memory_space<vmem>> -> memref<80x64xf32, #tpu.memory_space<vmem>>
        %dma_start3A_184 = arith.constant 0 : i32
        %dma_start3A_185 = tpu.memref_slice %arg7[%add3A_127, %dma_start3A_184] : memref<125x80xi32, #tpu.memory_space<vmem>> -> memref<1x80xi32, #tpu.memory_space<vmem>>
        %dma_start3A_186 = tpu.memref_squeeze %dma_start3A_185 : memref<1x80xi32, #tpu.memory_space<vmem>> -> memref<80xi32, #tpu.memory_space<vmem>>
        %dma_start3A_187 = arith.constant 0 : i32
        %dma_start3A_188 = arith.constant 0 : i32
        %dma_start3A_189 = tpu.memref_slice %arg2[%dma_start3A_187, %dma_start3A_188] : memref<10000x64xf32, #tpu.memory_space<hbm>> -> memref<10000x64xf32, #tpu.memory_space<hbm>>
        tpu.enqueue_indirect_dma source(%dma_start3A_189 : memref<10000x64xf32, #tpu.memory_space<hbm>>) target(%dma_start3A_183 : memref<80x64xf32, #tpu.memory_space<vmem>>) offsets(%dma_start3A_186 : memref<80xi32, #tpu.memory_space<vmem>>) semaphore(%arg14 : memref<!tpu.dma_semaphore, #tpu.memory_space<semaphore_mem>>)
      } else {
      }
      %mul3A_133 = arith.constant 5 : i32
      %mul3A_134 = arith.muli %scan3A_68, %mul3A_133 : i32
      %add3A_135 = arith.constant 3 : i32
      %add3A_136 = arith.addi %mul3A_134, %add3A_135 : i32
      %dma_wait3A_137 = arith.constant 3 : i32
      %dma_wait3A_138 = arith.constant 0 : i32
      %dma_wait3A_139 = arith.constant 0 : i32
      %dma_wait3A_140 = tpu.memref_slice %arg9[%dma_wait3A_137, %dma_wait3A_138, %dma_wait3A_139] : memref<5x80x64xf32, #tpu.memory_space<vmem>> -> memref<1x80x64xf32, #tpu.memory_space<vmem>>
      %dma_wait3A_141 = tpu.memref_squeeze %dma_wait3A_140 : memref<1x80x64xf32, #tpu.memory_space<vmem>> -> memref<80x64xf32, #tpu.memory_space<vmem>>
      %dma_wait3A_142 = arith.constant 0 : i32
      %dma_wait3A_143 = tpu.memref_slice %arg7[%add3A_136, %dma_wait3A_142] : memref<125x80xi32, #tpu.memory_space<vmem>> -> memref<1x80xi32, #tpu.memory_space<vmem>>
      %dma_wait3A_144 = tpu.memref_squeeze %dma_wait3A_143 : memref<1x80xi32, #tpu.memory_space<vmem>> -> memref<80xi32, #tpu.memory_space<vmem>>
      %dma_wait3A_145 = arith.constant 0 : i32
      %dma_wait3A_146 = arith.constant 0 : i32
      %dma_wait3A_147 = tpu.memref_slice %arg2[%dma_wait3A_145, %dma_wait3A_146] : memref<10000x64xf32, #tpu.memory_space<hbm>> -> memref<10000x64xf32, #tpu.memory_space<hbm>>
      tpu.wait_indirect_dma semaphore(%arg15 : memref<!tpu.dma_semaphore, #tpu.memory_space<semaphore_mem>>) src(%dma_wait3A_147 : memref<10000x64xf32, #tpu.memory_space<hbm>>) dst(%dma_wait3A_141 : memref<80x64xf32, #tpu.memory_space<vmem>>)
      %run_scoped3A_148 = arith.constant 3 : i32
      "tpu.region"() ({
        %run_scoped3A_179 = tpu.sem_alloc : memref<!tpu.dma_semaphore, #tpu.memory_space<semaphore_mem>>
        %dma_start3A_180 = arith.constant 0 : i32
        %dma_start3A_181 = arith.constant 0 : i32
        %dma_start3A_182 = tpu.memref_slice %arg9[%run_scoped3A_148, %dma_start3A_180, %dma_start3A_181] : memref<5x80x64xf32, #tpu.memory_space<vmem>> -> memref<1x80x64xf32, #tpu.memory_space<vmem>>
        %dma_start3A_183 = tpu.memref_squeeze %dma_start3A_182 : memref<1x80x64xf32, #tpu.memory_space<vmem>> -> memref<80x64xf32, #tpu.memory_space<vmem>>
        %dma_start3A_184 = arith.constant 0 : i32
        %dma_start3A_185 = tpu.memref_slice %arg8[%add3A_136, %dma_start3A_184] : memref<125x80xi32, #tpu.memory_space<vmem>> -> memref<1x80xi32, #tpu.memory_space<vmem>>
        %dma_start3A_186 = tpu.memref_squeeze %dma_start3A_185 : memref<1x80xi32, #tpu.memory_space<vmem>> -> memref<80xi32, #tpu.memory_space<vmem>>
        %dma_start3A_187 = arith.constant 0 : i32
        %dma_start3A_188 = arith.constant 0 : i32
        %dma_start3A_189 = tpu.memref_slice %arg11[%dma_start3A_187, %dma_start3A_188] : memref<10240x64xf32, #tpu.memory_space<vmem_shared>> -> memref<10240x64xf32, #tpu.memory_space<vmem_shared>>
        tpu.enqueue_indirect_dma source(%dma_start3A_183 : memref<80x64xf32, #tpu.memory_space<vmem>>) target(%dma_start3A_189 : memref<10240x64xf32, #tpu.memory_space<vmem_shared>>) offsets(%dma_start3A_186 : memref<80xi32, #tpu.memory_space<vmem>>) semaphore(%run_scoped3A_179 : memref<!tpu.dma_semaphore, #tpu.memory_space<semaphore_mem>>) {add = true}
        %dma_wait3A_190 = arith.constant 0 : i32
        %dma_wait3A_191 = arith.constant 0 : i32
        %dma_wait3A_192 = tpu.memref_slice %arg9[%run_scoped3A_148, %dma_wait3A_190, %dma_wait3A_191] : memref<5x80x64xf32, #tpu.memory_space<vmem>> -> memref<1x80x64xf32, #tpu.memory_space<vmem>>
        %dma_wait3A_193 = tpu.memref_squeeze %dma_wait3A_192 : memref<1x80x64xf32, #tpu.memory_space<vmem>> -> memref<80x64xf32, #tpu.memory_space<vmem>>
        %dma_wait3A_194 = arith.constant 0 : i32
        %dma_wait3A_195 = tpu.memref_slice %arg8[%add3A_136, %dma_wait3A_194] : memref<125x80xi32, #tpu.memory_space<vmem>> -> memref<1x80xi32, #tpu.memory_space<vmem>>
        %dma_wait3A_196 = tpu.memref_squeeze %dma_wait3A_195 : memref<1x80xi32, #tpu.memory_space<vmem>> -> memref<80xi32, #tpu.memory_space<vmem>>
        %dma_wait3A_197 = arith.constant 0 : i32
        %dma_wait3A_198 = arith.constant 0 : i32
        %dma_wait3A_199 = tpu.memref_slice %arg11[%dma_wait3A_197, %dma_wait3A_198] : memref<10240x64xf32, #tpu.memory_space<vmem_shared>> -> memref<10240x64xf32, #tpu.memory_space<vmem_shared>>
        tpu.wait_indirect_dma semaphore(%run_scoped3A_179 : memref<!tpu.dma_semaphore, #tpu.memory_space<semaphore_mem>>) src(%dma_wait3A_193 : memref<80x64xf32, #tpu.memory_space<vmem>>) dst(%dma_wait3A_199 : memref<10240x64xf32, #tpu.memory_space<vmem_shared>>)
        tpu.yield
      }) : () -> ()
      %add3A_149 = arith.constant 5 : i32
      %add3A_150 = arith.addi %add3A_136, %add3A_149 : i32
      %lt3A_151 = arith.constant 125 : i32
      %lt3A_152 = arith.cmpi slt, %add3A_150, %lt3A_151 : i32
      %convert_element_type3A_153 = arith.extui %lt3A_152 : i1 to i32
      %cond3A_154 = arith.constant 0 : i32
      %cond3A_155 = arith.cmpi ne, %convert_element_type3A_153, %cond3A_154 : i32
      scf.if %cond3A_155 {
        %dma_start3A_179 = arith.constant 3 : i32
        %dma_start3A_180 = arith.constant 0 : i32
        %dma_start3A_181 = arith.constant 0 : i32
        %dma_start3A_182 = tpu.memref_slice %arg9[%dma_start3A_179, %dma_start3A_180, %dma_start3A_181] : memref<5x80x64xf32, #tpu.memory_space<vmem>> -> memref<1x80x64xf32, #tpu.memory_space<vmem>>
        %dma_start3A_183 = tpu.memref_squeeze %dma_start3A_182 : memref<1x80x64xf32, #tpu.memory_space<vmem>> -> memref<80x64xf32, #tpu.memory_space<vmem>>
        %dma_start3A_184 = arith.constant 0 : i32
        %dma_start3A_185 = tpu.memref_slice %arg7[%add3A_150, %dma_start3A_184] : memref<125x80xi32, #tpu.memory_space<vmem>> -> memref<1x80xi32, #tpu.memory_space<vmem>>
        %dma_start3A_186 = tpu.memref_squeeze %dma_start3A_185 : memref<1x80xi32, #tpu.memory_space<vmem>> -> memref<80xi32, #tpu.memory_space<vmem>>
        %dma_start3A_187 = arith.constant 0 : i32
        %dma_start3A_188 = arith.constant 0 : i32
        %dma_start3A_189 = tpu.memref_slice %arg2[%dma_start3A_187, %dma_start3A_188] : memref<10000x64xf32, #tpu.memory_space<hbm>> -> memref<10000x64xf32, #tpu.memory_space<hbm>>
        tpu.enqueue_indirect_dma source(%dma_start3A_189 : memref<10000x64xf32, #tpu.memory_space<hbm>>) target(%dma_start3A_183 : memref<80x64xf32, #tpu.memory_space<vmem>>) offsets(%dma_start3A_186 : memref<80xi32, #tpu.memory_space<vmem>>) semaphore(%arg15 : memref<!tpu.dma_semaphore, #tpu.memory_space<semaphore_mem>>)
      } else {
      }
      %mul3A_156 = arith.constant 5 : i32
      %mul3A_157 = arith.muli %scan3A_68, %mul3A_156 : i32
      %add3A_158 = arith.constant 4 : i32
      %add3A_159 = arith.addi %mul3A_157, %add3A_158 : i32
      %dma_wait3A_160 = arith.constant 4 : i32
      %dma_wait3A_161 = arith.constant 0 : i32
      %dma_wait3A_162 = arith.constant 0 : i32
      %dma_wait3A_163 = tpu.memref_slice %arg9[%dma_wait3A_160, %dma_wait3A_161, %dma_wait3A_162] : memref<5x80x64xf32, #tpu.memory_space<vmem>> -> memref<1x80x64xf32, #tpu.memory_space<vmem>>
      %dma_wait3A_164 = tpu.memref_squeeze %dma_wait3A_163 : memref<1x80x64xf32, #tpu.memory_space<vmem>> -> memref<80x64xf32, #tpu.memory_space<vmem>>
      %dma_wait3A_165 = arith.constant 0 : i32
      %dma_wait3A_166 = tpu.memref_slice %arg7[%add3A_159, %dma_wait3A_165] : memref<125x80xi32, #tpu.memory_space<vmem>> -> memref<1x80xi32, #tpu.memory_space<vmem>>
      %dma_wait3A_167 = tpu.memref_squeeze %dma_wait3A_166 : memref<1x80xi32, #tpu.memory_space<vmem>> -> memref<80xi32, #tpu.memory_space<vmem>>
      %dma_wait3A_168 = arith.constant 0 : i32
      %dma_wait3A_169 = arith.constant 0 : i32
      %dma_wait3A_170 = tpu.memref_slice %arg2[%dma_wait3A_168, %dma_wait3A_169] : memref<10000x64xf32, #tpu.memory_space<hbm>> -> memref<10000x64xf32, #tpu.memory_space<hbm>>
      tpu.wait_indirect_dma semaphore(%arg16 : memref<!tpu.dma_semaphore, #tpu.memory_space<semaphore_mem>>) src(%dma_wait3A_170 : memref<10000x64xf32, #tpu.memory_space<hbm>>) dst(%dma_wait3A_164 : memref<80x64xf32, #tpu.memory_space<vmem>>)
      %run_scoped3A_171 = arith.constant 4 : i32
      "tpu.region"() ({
        %run_scoped3A_179 = tpu.sem_alloc : memref<!tpu.dma_semaphore, #tpu.memory_space<semaphore_mem>>
        %dma_start3A_180 = arith.constant 0 : i32
        %dma_start3A_181 = arith.constant 0 : i32
        %dma_start3A_182 = tpu.memref_slice %arg9[%run_scoped3A_171, %dma_start3A_180, %dma_start3A_181] : memref<5x80x64xf32, #tpu.memory_space<vmem>> -> memref<1x80x64xf32, #tpu.memory_space<vmem>>
        %dma_start3A_183 = tpu.memref_squeeze %dma_start3A_182 : memref<1x80x64xf32, #tpu.memory_space<vmem>> -> memref<80x64xf32, #tpu.memory_space<vmem>>
        %dma_start3A_184 = arith.constant 0 : i32
        %dma_start3A_185 = tpu.memref_slice %arg8[%add3A_159, %dma_start3A_184] : memref<125x80xi32, #tpu.memory_space<vmem>> -> memref<1x80xi32, #tpu.memory_space<vmem>>
        %dma_start3A_186 = tpu.memref_squeeze %dma_start3A_185 : memref<1x80xi32, #tpu.memory_space<vmem>> -> memref<80xi32, #tpu.memory_space<vmem>>
        %dma_start3A_187 = arith.constant 0 : i32
        %dma_start3A_188 = arith.constant 0 : i32
        %dma_start3A_189 = tpu.memref_slice %arg11[%dma_start3A_187, %dma_start3A_188] : memref<10240x64xf32, #tpu.memory_space<vmem_shared>> -> memref<10240x64xf32, #tpu.memory_space<vmem_shared>>
        tpu.enqueue_indirect_dma source(%dma_start3A_183 : memref<80x64xf32, #tpu.memory_space<vmem>>) target(%dma_start3A_189 : memref<10240x64xf32, #tpu.memory_space<vmem_shared>>) offsets(%dma_start3A_186 : memref<80xi32, #tpu.memory_space<vmem>>) semaphore(%run_scoped3A_179 : memref<!tpu.dma_semaphore, #tpu.memory_space<semaphore_mem>>) {add = true}
        %dma_wait3A_190 = arith.constant 0 : i32
        %dma_wait3A_191 = arith.constant 0 : i32
        %dma_wait3A_192 = tpu.memref_slice %arg9[%run_scoped3A_171, %dma_wait3A_190, %dma_wait3A_191] : memref<5x80x64xf32, #tpu.memory_space<vmem>> -> memref<1x80x64xf32, #tpu.memory_space<vmem>>
        %dma_wait3A_193 = tpu.memref_squeeze %dma_wait3A_192 : memref<1x80x64xf32, #tpu.memory_space<vmem>> -> memref<80x64xf32, #tpu.memory_space<vmem>>
        %dma_wait3A_194 = arith.constant 0 : i32
        %dma_wait3A_195 = tpu.memref_slice %arg8[%add3A_159, %dma_wait3A_194] : memref<125x80xi32, #tpu.memory_space<vmem>> -> memref<1x80xi32, #tpu.memory_space<vmem>>
        %dma_wait3A_196 = tpu.memref_squeeze %dma_wait3A_195 : memref<1x80xi32, #tpu.memory_space<vmem>> -> memref<80xi32, #tpu.memory_space<vmem>>
        %dma_wait3A_197 = arith.constant 0 : i32
        %dma_wait3A_198 = arith.constant 0 : i32
        %dma_wait3A_199 = tpu.memref_slice %arg11[%dma_wait3A_197, %dma_wait3A_198] : memref<10240x64xf32, #tpu.memory_space<vmem_shared>> -> memref<10240x64xf32, #tpu.memory_space<vmem_shared>>
        tpu.wait_indirect_dma semaphore(%run_scoped3A_179 : memref<!tpu.dma_semaphore, #tpu.memory_space<semaphore_mem>>) src(%dma_wait3A_193 : memref<80x64xf32, #tpu.memory_space<vmem>>) dst(%dma_wait3A_199 : memref<10240x64xf32, #tpu.memory_space<vmem_shared>>)
        tpu.yield
      }) : () -> ()
      %add3A_172 = arith.constant 5 : i32
      %add3A_173 = arith.addi %add3A_159, %add3A_172 : i32
      %lt3A_174 = arith.constant 125 : i32
      %lt3A_175 = arith.cmpi slt, %add3A_173, %lt3A_174 : i32
      %convert_element_type3A_176 = arith.extui %lt3A_175 : i1 to i32
      %cond3A_177 = arith.constant 0 : i32
      %cond3A_178 = arith.cmpi ne, %convert_element_type3A_176, %cond3A_177 : i32
      scf.if %cond3A_178 {
        %dma_start3A_179 = arith.constant 4 : i32
        %dma_start3A_180 = arith.constant 0 : i32
        %dma_start3A_181 = arith.constant 0 : i32
        %dma_start3A_182 = tpu.memref_slice %arg9[%dma_start3A_179, %dma_start3A_180, %dma_start3A_181] : memref<5x80x64xf32, #tpu.memory_space<vmem>> -> memref<1x80x64xf32, #tpu.memory_space<vmem>>
        %dma_start3A_183 = tpu.memref_squeeze %dma_start3A_182 : memref<1x80x64xf32, #tpu.memory_space<vmem>> -> memref<80x64xf32, #tpu.memory_space<vmem>>
        %dma_start3A_184 = arith.constant 0 : i32
        %dma_start3A_185 = tpu.memref_slice %arg7[%add3A_173, %dma_start3A_184] : memref<125x80xi32, #tpu.memory_space<vmem>> -> memref<1x80xi32, #tpu.memory_space<vmem>>
        %dma_start3A_186 = tpu.memref_squeeze %dma_start3A_185 : memref<1x80xi32, #tpu.memory_space<vmem>> -> memref<80xi32, #tpu.memory_space<vmem>>
        %dma_start3A_187 = arith.constant 0 : i32
        %dma_start3A_188 = arith.constant 0 : i32
        %dma_start3A_189 = tpu.memref_slice %arg2[%dma_start3A_187, %dma_start3A_188] : memref<10000x64xf32, #tpu.memory_space<hbm>> -> memref<10000x64xf32, #tpu.memory_space<hbm>>
        tpu.enqueue_indirect_dma source(%dma_start3A_189 : memref<10000x64xf32, #tpu.memory_space<hbm>>) target(%dma_start3A_183 : memref<80x64xf32, #tpu.memory_space<vmem>>) offsets(%dma_start3A_186 : memref<80xi32, #tpu.memory_space<vmem>>) semaphore(%arg16 : memref<!tpu.dma_semaphore, #tpu.memory_space<semaphore_mem>>)
      } else {
      }
    }
    %scan3A_66 = arith.constant 25 : i32
    %barrier3A_67 = arith.constant 0 : index
    tpu.barrier barrier_id(%barrier3A_67)
    "tpu.region"() ({
      %run_scoped3A = tpu.sem_alloc : memref<!tpu.dma_semaphore, #tpu.memory_space<semaphore_mem>>
      %dma_start3A_68 = arith.constant 0 : i32
      %dma_start3A_69 = tpu.memref_slice %arg11[%mul3A_2, %dma_start3A_68] : memref<10240x64xf32, #tpu.memory_space<vmem_shared>> -> memref<640x64xf32, #tpu.memory_space<vmem_shared>>
      %dma_start3A_70 = arith.constant 0 : i32
      %dma_start3A_71 = tpu.memref_slice %arg11[%mul3A_2, %dma_start3A_70] : memref<10240x64xf32, #tpu.memory_space<vmem_shared>> -> memref<640x64xf32, #tpu.memory_space<vmem_shared>>
      tpu.enqueue_dma source(%dma_start3A_71 : memref<640x64xf32, #tpu.memory_space<vmem_shared>>) target(%arg10 : memref<640x64xf32, #tpu.memory_space<vmem>>) target_semaphore(%run_scoped3A : memref<!tpu.dma_semaphore, #tpu.memory_space<semaphore_mem>>)
      %dma_wait3A = arith.constant 0 : i32
      %dma_wait3A_72 = tpu.memref_slice %arg11[%mul3A_2, %dma_wait3A] : memref<10240x64xf32, #tpu.memory_space<vmem_shared>> -> memref<640x64xf32, #tpu.memory_space<vmem_shared>>
      %dma_wait3A_73 = arith.constant 0 : i32
      %dma_wait3A_74 = tpu.memref_slice %arg11[%mul3A_2, %dma_wait3A_73] : memref<10240x64xf32, #tpu.memory_space<vmem_shared>> -> memref<640x64xf32, #tpu.memory_space<vmem_shared>>
      tpu.wait_dma2 semaphore(%run_scoped3A : memref<!tpu.dma_semaphore, #tpu.memory_space<semaphore_mem>>) src(%dma_wait3A_74 : memref<640x64xf32, #tpu.memory_space<vmem_shared>>) dst(%arg10 : memref<640x64xf32, #tpu.memory_space<vmem>>)
      tpu.yield
    }) : () -> ()
    "tpu.region"() ({
      %run_scoped3A = tpu.sem_alloc : memref<!tpu.dma_semaphore, #tpu.memory_space<semaphore_mem>>
      %dma_start3A_68 = arith.constant 0 : i32
      %dma_start3A_69 = tpu.memref_slice %arg6[%arg0, %mul3A_2, %dma_start3A_68] : memref<2x10240x64xf32, #tpu.memory_space<hbm>> -> memref<1x640x64xf32, #tpu.memory_space<hbm>>
      %dma_start3A_70 = tpu.memref_squeeze %dma_start3A_69 : memref<1x640x64xf32, #tpu.memory_space<hbm>> -> memref<640x64xf32, #tpu.memory_space<hbm>>
      %dma_start3A_71 = arith.constant 0 : i32
      %dma_start3A_72 = tpu.memref_slice %arg6[%arg0, %mul3A_2, %dma_start3A_71] : memref<2x10240x64xf32, #tpu.memory_space<hbm>> -> memref<1x640x64xf32, #tpu.memory_space<hbm>>
      %dma_start3A_73 = tpu.memref_squeeze %dma_start3A_72 : memref<1x640x64xf32, #tpu.memory_space<hbm>> -> memref<640x64xf32, #tpu.memory_space<hbm>>
      tpu.enqueue_dma source(%arg10 : memref<640x64xf32, #tpu.memory_space<vmem>>) target(%dma_start3A_73 : memref<640x64xf32, #tpu.memory_space<hbm>>) target_semaphore(%run_scoped3A : memref<!tpu.dma_semaphore, #tpu.memory_space<semaphore_mem>>)
      %dma_wait3A = arith.constant 0 : i32
      %dma_wait3A_74 = tpu.memref_slice %arg6[%arg0, %mul3A_2, %dma_wait3A] : memref<2x10240x64xf32, #tpu.memory_space<hbm>> -> memref<1x640x64xf32, #tpu.memory_space<hbm>>
      %dma_wait3A_75 = tpu.memref_squeeze %dma_wait3A_74 : memref<1x640x64xf32, #tpu.memory_space<hbm>> -> memref<640x64xf32, #tpu.memory_space<hbm>>
      %dma_wait3A_76 = arith.constant 0 : i32
      %dma_wait3A_77 = tpu.memref_slice %arg6[%arg0, %mul3A_2, %dma_wait3A_76] : memref<2x10240x64xf32, #tpu.memory_space<hbm>> -> memref<1x640x64xf32, #tpu.memory_space<hbm>>
      %dma_wait3A_78 = tpu.memref_squeeze %dma_wait3A_77 : memref<1x640x64xf32, #tpu.memory_space<hbm>> -> memref<640x64xf32, #tpu.memory_space<hbm>>
      tpu.wait_dma2 semaphore(%run_scoped3A : memref<!tpu.dma_semaphore, #tpu.memory_space<semaphore_mem>>) src(%arg10 : memref<640x64xf32, #tpu.memory_space<vmem>>) dst(%dma_wait3A_78 : memref<640x64xf32, #tpu.memory_space<hbm>>)
      tpu.yield
    }) : () -> ()
    return
  }
}

#map = affine_map<(d0, d1) -> (0, 0)>
#map1 = affine_map<(d0, d1) -> (0, 0, 0)>
module attributes {stable_mosaic.version = 14 : i64} {
  func.func @_sc_agg_body(%arg0: i32, %arg1: i32, %arg2: memref<10000x64xf32, #tpu.memory_space<hbm>>, %arg3: memref<32x125x80xi32, #tpu.memory_space<hbm>>, %arg4: memref<32x125x80xi32, #tpu.memory_space<hbm>>, %arg5: memref<10240x64xf32, #tpu.memory_space<hbm>>, %arg6: memref<2x10240x64xf32, #tpu.memory_space<hbm>>, %arg7: memref<125x80xi32, #tpu.memory_space<vmem>>, %arg8: memref<125x80xi32, #tpu.memory_space<vmem>>, %arg9: memref<5x80x64xf32, #tpu.memory_space<vmem>>, %arg10: memref<640x64xf32, #tpu.memory_space<vmem>>, %arg11: memref<10240x64xf32, #tpu.memory_space<vmem_shared>>, %arg12: memref<!tpu.dma_semaphore, #tpu.memory_space<semaphore_mem>>, %arg13: memref<!tpu.dma_semaphore, #tpu.memory_space<semaphore_mem>>, %arg14: memref<!tpu.dma_semaphore, #tpu.memory_space<semaphore_mem>>, %arg15: memref<!tpu.dma_semaphore, #tpu.memory_space<semaphore_mem>>, %arg16: memref<!tpu.dma_semaphore, #tpu.memory_space<semaphore_mem>>) attributes {dimension_semantics = [#tpu.dimension_semantics<core_parallel>, #tpu.dimension_semantics<subcore_parallel>], iteration_bounds = array<i64: 2, 16>, scalar_prefetch = 0 : i64, scratch_operands = 10 : i64, tpu.core_type = #tpu.core_type<sc_vector_subcore>, window_params = [{transform_indices = #map}, {transform_indices = #map1}, {transform_indices = #map1}, {transform_indices = #map}, {transform_indices = #map1}]} {
    %mul3A = arith.constant 16 : i32
    %mul3A_0 = arith.muli %arg0, %mul3A : i32
    %add3A = arith.addi %mul3A_0, %arg1 : i32
    %mul3A_1 = arith.constant 640 : i32
    %mul3A_2 = arith.muli %arg1, %mul3A_1 : i32
    "tpu.region"() ({
      %run_scoped3A = tpu.sem_alloc : memref<!tpu.dma_semaphore, #tpu.memory_space<semaphore_mem>>
      %dma_start3A_68 = arith.constant 0 : i32
      %dma_start3A_69 = tpu.memref_slice %arg5[%mul3A_2, %dma_start3A_68] : memref<10240x64xf32, #tpu.memory_space<hbm>> -> memref<640x64xf32, #tpu.memory_space<hbm>>
      %dma_start3A_70 = arith.constant 0 : i32
      %dma_start3A_71 = tpu.memref_slice %arg5[%mul3A_2, %dma_start3A_70] : memref<10240x64xf32, #tpu.memory_space<hbm>> -> memref<640x64xf32, #tpu.memory_space<hbm>>
      tpu.enqueue_dma source(%dma_start3A_71 : memref<640x64xf32, #tpu.memory_space<hbm>>) target(%arg10 : memref<640x64xf32, #tpu.memory_space<vmem>>) target_semaphore(%run_scoped3A : memref<!tpu.dma_semaphore, #tpu.memory_space<semaphore_mem>>)
      %dma_wait3A = arith.constant 0 : i32
      %dma_wait3A_72 = tpu.memref_slice %arg5[%mul3A_2, %dma_wait3A] : memref<10240x64xf32, #tpu.memory_space<hbm>> -> memref<640x64xf32, #tpu.memory_space<hbm>>
      %dma_wait3A_73 = arith.constant 0 : i32
      %dma_wait3A_74 = tpu.memref_slice %arg5[%mul3A_2, %dma_wait3A_73] : memref<10240x64xf32, #tpu.memory_space<hbm>> -> memref<640x64xf32, #tpu.memory_space<hbm>>
      tpu.wait_dma2 semaphore(%run_scoped3A : memref<!tpu.dma_semaphore, #tpu.memory_space<semaphore_mem>>) src(%dma_wait3A_74 : memref<640x64xf32, #tpu.memory_space<hbm>>) dst(%arg10 : memref<640x64xf32, #tpu.memory_space<vmem>>)
      tpu.yield
    }) : () -> ()
    "tpu.region"() ({
      %run_scoped3A = tpu.sem_alloc : memref<!tpu.dma_semaphore, #tpu.memory_space<semaphore_mem>>
      %dma_start3A_68 = arith.constant 0 : i32
      %dma_start3A_69 = tpu.memref_slice %arg11[%mul3A_2, %dma_start3A_68] : memref<10240x64xf32, #tpu.memory_space<vmem_shared>> -> memref<640x64xf32, #tpu.memory_space<vmem_shared>>
      %dma_start3A_70 = arith.constant 0 : i32
      %dma_start3A_71 = tpu.memref_slice %arg11[%mul3A_2, %dma_start3A_70] : memref<10240x64xf32, #tpu.memory_space<vmem_shared>> -> memref<640x64xf32, #tpu.memory_space<vmem_shared>>
      tpu.enqueue_dma source(%arg10 : memref<640x64xf32, #tpu.memory_space<vmem>>) target(%dma_start3A_71 : memref<640x64xf32, #tpu.memory_space<vmem_shared>>) target_semaphore(%run_scoped3A : memref<!tpu.dma_semaphore, #tpu.memory_space<semaphore_mem>>)
      %dma_wait3A = arith.constant 0 : i32
      %dma_wait3A_72 = tpu.memref_slice %arg11[%mul3A_2, %dma_wait3A] : memref<10240x64xf32, #tpu.memory_space<vmem_shared>> -> memref<640x64xf32, #tpu.memory_space<vmem_shared>>
      %dma_wait3A_73 = arith.constant 0 : i32
      %dma_wait3A_74 = tpu.memref_slice %arg11[%mul3A_2, %dma_wait3A_73] : memref<10240x64xf32, #tpu.memory_space<vmem_shared>> -> memref<640x64xf32, #tpu.memory_space<vmem_shared>>
      tpu.wait_dma2 semaphore(%run_scoped3A : memref<!tpu.dma_semaphore, #tpu.memory_space<semaphore_mem>>) src(%arg10 : memref<640x64xf32, #tpu.memory_space<vmem>>) dst(%dma_wait3A_74 : memref<640x64xf32, #tpu.memory_space<vmem_shared>>)
      tpu.yield
    }) : () -> ()
    "tpu.region"() ({
      %run_scoped3A = tpu.sem_alloc : memref<!tpu.dma_semaphore, #tpu.memory_space<semaphore_mem>>
      %dma_start3A_68 = arith.constant 0 : i32
      %dma_start3A_69 = arith.constant 0 : i32
      %dma_start3A_70 = tpu.memref_slice %arg3[%add3A, %dma_start3A_68, %dma_start3A_69] : memref<32x125x80xi32, #tpu.memory_space<hbm>> -> memref<1x125x80xi32, #tpu.memory_space<hbm>>
      %dma_start3A_71 = tpu.memref_squeeze %dma_start3A_70 : memref<1x125x80xi32, #tpu.memory_space<hbm>> -> memref<125x80xi32, #tpu.memory_space<hbm>>
      %dma_start3A_72 = arith.constant 0 : i32
      %dma_start3A_73 = arith.constant 0 : i32
      %dma_start3A_74 = tpu.memref_slice %arg3[%add3A, %dma_start3A_72, %dma_start3A_73] : memref<32x125x80xi32, #tpu.memory_space<hbm>> -> memref<1x125x80xi32, #tpu.memory_space<hbm>>
      %dma_start3A_75 = tpu.memref_squeeze %dma_start3A_74 : memref<1x125x80xi32, #tpu.memory_space<hbm>> -> memref<125x80xi32, #tpu.memory_space<hbm>>
      tpu.enqueue_dma source(%dma_start3A_75 : memref<125x80xi32, #tpu.memory_space<hbm>>) target(%arg7 : memref<125x80xi32, #tpu.memory_space<vmem>>) target_semaphore(%run_scoped3A : memref<!tpu.dma_semaphore, #tpu.memory_space<semaphore_mem>>)
      %dma_wait3A = arith.constant 0 : i32
      %dma_wait3A_76 = arith.constant 0 : i32
      %dma_wait3A_77 = tpu.memref_slice %arg3[%add3A, %dma_wait3A, %dma_wait3A_76] : memref<32x125x80xi32, #tpu.memory_space<hbm>> -> memref<1x125x80xi32, #tpu.memory_space<hbm>>
      %dma_wait3A_78 = tpu.memref_squeeze %dma_wait3A_77 : memref<1x125x80xi32, #tpu.memory_space<hbm>> -> memref<125x80xi32, #tpu.memory_space<hbm>>
      %dma_wait3A_79 = arith.constant 0 : i32
      %dma_wait3A_80 = arith.constant 0 : i32
      %dma_wait3A_81 = tpu.memref_slice %arg3[%add3A, %dma_wait3A_79, %dma_wait3A_80] : memref<32x125x80xi32, #tpu.memory_space<hbm>> -> memref<1x125x80xi32, #tpu.memory_space<hbm>>
      %dma_wait3A_82 = tpu.memref_squeeze %dma_wait3A_81 : memref<1x125x80xi32, #tpu.memory_space<hbm>> -> memref<125x80xi32, #tpu.memory_space<hbm>>
      tpu.wait_dma2 semaphore(%run_scoped3A : memref<!tpu.dma_semaphore, #tpu.memory_space<semaphore_mem>>) src(%dma_wait3A_82 : memref<125x80xi32, #tpu.memory_space<hbm>>) dst(%arg7 : memref<125x80xi32, #tpu.memory_space<vmem>>)
      tpu.yield
    }) : () -> ()
    "tpu.region"() ({
      %run_scoped3A = tpu.sem_alloc : memref<!tpu.dma_semaphore, #tpu.memory_space<semaphore_mem>>
      %dma_start3A_68 = arith.constant 0 : i32
      %dma_start3A_69 = arith.constant 0 : i32
      %dma_start3A_70 = tpu.memref_slice %arg4[%add3A, %dma_start3A_68, %dma_start3A_69] : memref<32x125x80xi32, #tpu.memory_space<hbm>> -> memref<1x125x80xi32, #tpu.memory_space<hbm>>
      %dma_start3A_71 = tpu.memref_squeeze %dma_start3A_70 : memref<1x125x80xi32, #tpu.memory_space<hbm>> -> memref<125x80xi32, #tpu.memory_space<hbm>>
      %dma_start3A_72 = arith.constant 0 : i32
      %dma_start3A_73 = arith.constant 0 : i32
      %dma_start3A_74 = tpu.memref_slice %arg4[%add3A, %dma_start3A_72, %dma_start3A_73] : memref<32x125x80xi32, #tpu.memory_space<hbm>> -> memref<1x125x80xi32, #tpu.memory_space<hbm>>
      %dma_start3A_75 = tpu.memref_squeeze %dma_start3A_74 : memref<1x125x80xi32, #tpu.memory_space<hbm>> -> memref<125x80xi32, #tpu.memory_space<hbm>>
      tpu.enqueue_dma source(%dma_start3A_75 : memref<125x80xi32, #tpu.memory_space<hbm>>) target(%arg8 : memref<125x80xi32, #tpu.memory_space<vmem>>) target_semaphore(%run_scoped3A : memref<!tpu.dma_semaphore, #tpu.memory_space<semaphore_mem>>)
      %dma_wait3A = arith.constant 0 : i32
      %dma_wait3A_76 = arith.constant 0 : i32
      %dma_wait3A_77 = tpu.memref_slice %arg4[%add3A, %dma_wait3A, %dma_wait3A_76] : memref<32x125x80xi32, #tpu.memory_space<hbm>> -> memref<1x125x80xi32, #tpu.memory_space<hbm>>
      %dma_wait3A_78 = tpu.memref_squeeze %dma_wait3A_77 : memref<1x125x80xi32, #tpu.memory_space<hbm>> -> memref<125x80xi32, #tpu.memory_space<hbm>>
      %dma_wait3A_79 = arith.constant 0 : i32
      %dma_wait3A_80 = arith.constant 0 : i32
      %dma_wait3A_81 = tpu.memref_slice %arg4[%add3A, %dma_wait3A_79, %dma_wait3A_80] : memref<32x125x80xi32, #tpu.memory_space<hbm>> -> memref<1x125x80xi32, #tpu.memory_space<hbm>>
      %dma_wait3A_82 = tpu.memref_squeeze %dma_wait3A_81 : memref<1x125x80xi32, #tpu.memory_space<hbm>> -> memref<125x80xi32, #tpu.memory_space<hbm>>
      tpu.wait_dma2 semaphore(%run_scoped3A : memref<!tpu.dma_semaphore, #tpu.memory_space<semaphore_mem>>) src(%dma_wait3A_82 : memref<125x80xi32, #tpu.memory_space<hbm>>) dst(%arg8 : memref<125x80xi32, #tpu.memory_space<vmem>>)
      tpu.yield
    }) : () -> ()
    %barrier3A = arith.constant 0 : index
    tpu.barrier barrier_id(%barrier3A)
    %dma_start3A = arith.constant 0 : i32
    %dma_start3A_3 = arith.constant 0 : i32
    %dma_start3A_4 = arith.constant 0 : i32
    %dma_start3A_5 = arith.constant 0 : i32
    %dma_start3A_6 = tpu.memref_slice %arg9[%dma_start3A_3, %dma_start3A_4, %dma_start3A_5] : memref<5x80x64xf32, #tpu.memory_space<vmem>> -> memref<1x80x64xf32, #tpu.memory_space<vmem>>
    %dma_start3A_7 = tpu.memref_squeeze %dma_start3A_6 : memref<1x80x64xf32, #tpu.memory_space<vmem>> -> memref<80x64xf32, #tpu.memory_space<vmem>>
    %dma_start3A_8 = arith.constant 0 : i32
    %dma_start3A_9 = tpu.memref_slice %arg7[%dma_start3A, %dma_start3A_8] : memref<125x80xi32, #tpu.memory_space<vmem>> -> memref<1x80xi32, #tpu.memory_space<vmem>>
    %dma_start3A_10 = tpu.memref_squeeze %dma_start3A_9 : memref<1x80xi32, #tpu.memory_space<vmem>> -> memref<80xi32, #tpu.memory_space<vmem>>
    %dma_start3A_11 = arith.constant 0 : i32
    %dma_start3A_12 = arith.constant 0 : i32
    %dma_start3A_13 = tpu.memref_slice %arg2[%dma_start3A_11, %dma_start3A_12] : memref<10000x64xf32, #tpu.memory_space<hbm>> -> memref<10000x64xf32, #tpu.memory_space<hbm>>
    tpu.enqueue_indirect_dma source(%dma_start3A_13 : memref<10000x64xf32, #tpu.memory_space<hbm>>) target(%dma_start3A_7 : memref<80x64xf32, #tpu.memory_space<vmem>>) offsets(%dma_start3A_10 : memref<80xi32, #tpu.memory_space<vmem>>) semaphore(%arg12 : memref<!tpu.dma_semaphore, #tpu.memory_space<semaphore_mem>>)
    %dma_start3A_14 = arith.constant 1 : i32
    %dma_start3A_15 = arith.constant 1 : i32
    %dma_start3A_16 = arith.constant 0 : i32
    %dma_start3A_17 = arith.constant 0 : i32
    %dma_start3A_18 = tpu.memref_slice %arg9[%dma_start3A_15, %dma_start3A_16, %dma_start3A_17] : memref<5x80x64xf32, #tpu.memory_space<vmem>> -> memref<1x80x64xf32, #tpu.memory_space<vmem>>
    %dma_start3A_19 = tpu.memref_squeeze %dma_start3A_18 : memref<1x80x64xf32, #tpu.memory_space<vmem>> -> memref<80x64xf32, #tpu.memory_space<vmem>>
    %dma_start3A_20 = arith.constant 0 : i32
    %dma_start3A_21 = tpu.memref_slice %arg7[%dma_start3A_14, %dma_start3A_20] : memref<125x80xi32, #tpu.memory_space<vmem>> -> memref<1x80xi32, #tpu.memory_space<vmem>>
    %dma_start3A_22 = tpu.memref_squeeze %dma_start3A_21 : memref<1x80xi32, #tpu.memory_space<vmem>> -> memref<80xi32, #tpu.memory_space<vmem>>
    %dma_start3A_23 = arith.constant 0 : i32
    %dma_start3A_24 = arith.constant 0 : i32
    %dma_start3A_25 = tpu.memref_slice %arg2[%dma_start3A_23, %dma_start3A_24] : memref<10000x64xf32, #tpu.memory_space<hbm>> -> memref<10000x64xf32, #tpu.memory_space<hbm>>
    tpu.enqueue_indirect_dma source(%dma_start3A_25 : memref<10000x64xf32, #tpu.memory_space<hbm>>) target(%dma_start3A_19 : memref<80x64xf32, #tpu.memory_space<vmem>>) offsets(%dma_start3A_22 : memref<80xi32, #tpu.memory_space<vmem>>) semaphore(%arg13 : memref<!tpu.dma_semaphore, #tpu.memory_space<semaphore_mem>>)
    %dma_start3A_26 = arith.constant 2 : i32
    %dma_start3A_27 = arith.constant 2 : i32
    %dma_start3A_28 = arith.constant 0 : i32
    %dma_start3A_29 = arith.constant 0 : i32
    %dma_start3A_30 = tpu.memref_slice %arg9[%dma_start3A_27, %dma_start3A_28, %dma_start3A_29] : memref<5x80x64xf32, #tpu.memory_space<vmem>> -> memref<1x80x64xf32, #tpu.memory_space<vmem>>
    %dma_start3A_31 = tpu.memref_squeeze %dma_start3A_30 : memref<1x80x64xf32, #tpu.memory_space<vmem>> -> memref<80x64xf32, #tpu.memory_space<vmem>>
    %dma_start3A_32 = arith.constant 0 : i32
    %dma_start3A_33 = tpu.memref_slice %arg7[%dma_start3A_26, %dma_start3A_32] : memref<125x80xi32, #tpu.memory_space<vmem>> -> memref<1x80xi32, #tpu.memory_space<vmem>>
    %dma_start3A_34 = tpu.memref_squeeze %dma_start3A_33 : memref<1x80xi32, #tpu.memory_space<vmem>> -> memref<80xi32, #tpu.memory_space<vmem>>
    %dma_start3A_35 = arith.constant 0 : i32
    %dma_start3A_36 = arith.constant 0 : i32
    %dma_start3A_37 = tpu.memref_slice %arg2[%dma_start3A_35, %dma_start3A_36] : memref<10000x64xf32, #tpu.memory_space<hbm>> -> memref<10000x64xf32, #tpu.memory_space<hbm>>
    tpu.enqueue_indirect_dma source(%dma_start3A_37 : memref<10000x64xf32, #tpu.memory_space<hbm>>) target(%dma_start3A_31 : memref<80x64xf32, #tpu.memory_space<vmem>>) offsets(%dma_start3A_34 : memref<80xi32, #tpu.memory_space<vmem>>) semaphore(%arg14 : memref<!tpu.dma_semaphore, #tpu.memory_space<semaphore_mem>>)
    %dma_start3A_38 = arith.constant 3 : i32
    %dma_start3A_39 = arith.constant 3 : i32
    %dma_start3A_40 = arith.constant 0 : i32
    %dma_start3A_41 = arith.constant 0 : i32
    %dma_start3A_42 = tpu.memref_slice %arg9[%dma_start3A_39, %dma_start3A_40, %dma_start3A_41] : memref<5x80x64xf32, #tpu.memory_space<vmem>> -> memref<1x80x64xf32, #tpu.memory_space<vmem>>
    %dma_start3A_43 = tpu.memref_squeeze %dma_start3A_42 : memref<1x80x64xf32, #tpu.memory_space<vmem>> -> memref<80x64xf32, #tpu.memory_space<vmem>>
    %dma_start3A_44 = arith.constant 0 : i32
    %dma_start3A_45 = tpu.memref_slice %arg7[%dma_start3A_38, %dma_start3A_44] : memref<125x80xi32, #tpu.memory_space<vmem>> -> memref<1x80xi32, #tpu.memory_space<vmem>>
    %dma_start3A_46 = tpu.memref_squeeze %dma_start3A_45 : memref<1x80xi32, #tpu.memory_space<vmem>> -> memref<80xi32, #tpu.memory_space<vmem>>
    %dma_start3A_47 = arith.constant 0 : i32
    %dma_start3A_48 = arith.constant 0 : i32
    %dma_start3A_49 = tpu.memref_slice %arg2[%dma_start3A_47, %dma_start3A_48] : memref<10000x64xf32, #tpu.memory_space<hbm>> -> memref<10000x64xf32, #tpu.memory_space<hbm>>
    tpu.enqueue_indirect_dma source(%dma_start3A_49 : memref<10000x64xf32, #tpu.memory_space<hbm>>) target(%dma_start3A_43 : memref<80x64xf32, #tpu.memory_space<vmem>>) offsets(%dma_start3A_46 : memref<80xi32, #tpu.memory_space<vmem>>) semaphore(%arg15 : memref<!tpu.dma_semaphore, #tpu.memory_space<semaphore_mem>>)
    %dma_start3A_50 = arith.constant 4 : i32
    %dma_start3A_51 = arith.constant 4 : i32
    %dma_start3A_52 = arith.constant 0 : i32
    %dma_start3A_53 = arith.constant 0 : i32
    %dma_start3A_54 = tpu.memref_slice %arg9[%dma_start3A_51, %dma_start3A_52, %dma_start3A_53] : memref<5x80x64xf32, #tpu.memory_space<vmem>> -> memref<1x80x64xf32, #tpu.memory_space<vmem>>
    %dma_start3A_55 = tpu.memref_squeeze %dma_start3A_54 : memref<1x80x64xf32, #tpu.memory_space<vmem>> -> memref<80x64xf32, #tpu.memory_space<vmem>>
    %dma_start3A_56 = arith.constant 0 : i32
    %dma_start3A_57 = tpu.memref_slice %arg7[%dma_start3A_50, %dma_start3A_56] : memref<125x80xi32, #tpu.memory_space<vmem>> -> memref<1x80xi32, #tpu.memory_space<vmem>>
    %dma_start3A_58 = tpu.memref_squeeze %dma_start3A_57 : memref<1x80xi32, #tpu.memory_space<vmem>> -> memref<80xi32, #tpu.memory_space<vmem>>
    %dma_start3A_59 = arith.constant 0 : i32
    %dma_start3A_60 = arith.constant 0 : i32
    %dma_start3A_61 = tpu.memref_slice %arg2[%dma_start3A_59, %dma_start3A_60] : memref<10000x64xf32, #tpu.memory_space<hbm>> -> memref<10000x64xf32, #tpu.memory_space<hbm>>
    tpu.enqueue_indirect_dma source(%dma_start3A_61 : memref<10000x64xf32, #tpu.memory_space<hbm>>) target(%dma_start3A_55 : memref<80x64xf32, #tpu.memory_space<vmem>>) offsets(%dma_start3A_58 : memref<80xi32, #tpu.memory_space<vmem>>) semaphore(%arg16 : memref<!tpu.dma_semaphore, #tpu.memory_space<semaphore_mem>>)
    %scan3A = arith.constant 0 : i32
    %scan3A_62 = arith.constant 0 : i32
    %scan3A_63 = arith.constant 25 : i32
    %scan3A_64 = arith.addi %scan3A_62, %scan3A_63 : i32
    %scan3A_65 = arith.constant 1 : i32
    scf.for %scan3A_68 = %scan3A_62 to %scan3A_64 step %scan3A_65  : i32 {
      %mul3A_69 = arith.constant 5 : i32
      %mul3A_70 = arith.muli %scan3A_68, %mul3A_69 : i32
      %add3A_71 = arith.constant 0 : i32
      %add3A_72 = arith.addi %mul3A_70, %add3A_71 : i32
      %dma_wait3A = arith.constant 0 : i32
      %dma_wait3A_73 = arith.constant 0 : i32
      %dma_wait3A_74 = arith.constant 0 : i32
      %dma_wait3A_75 = tpu.memref_slice %arg9[%dma_wait3A, %dma_wait3A_73, %dma_wait3A_74] : memref<5x80x64xf32, #tpu.memory_space<vmem>> -> memref<1x80x64xf32, #tpu.memory_space<vmem>>
      %dma_wait3A_76 = tpu.memref_squeeze %dma_wait3A_75 : memref<1x80x64xf32, #tpu.memory_space<vmem>> -> memref<80x64xf32, #tpu.memory_space<vmem>>
      %dma_wait3A_77 = arith.constant 0 : i32
      %dma_wait3A_78 = tpu.memref_slice %arg7[%add3A_72, %dma_wait3A_77] : memref<125x80xi32, #tpu.memory_space<vmem>> -> memref<1x80xi32, #tpu.memory_space<vmem>>
      %dma_wait3A_79 = tpu.memref_squeeze %dma_wait3A_78 : memref<1x80xi32, #tpu.memory_space<vmem>> -> memref<80xi32, #tpu.memory_space<vmem>>
      %dma_wait3A_80 = arith.constant 0 : i32
      %dma_wait3A_81 = arith.constant 0 : i32
      %dma_wait3A_82 = tpu.memref_slice %arg2[%dma_wait3A_80, %dma_wait3A_81] : memref<10000x64xf32, #tpu.memory_space<hbm>> -> memref<10000x64xf32, #tpu.memory_space<hbm>>
      tpu.wait_indirect_dma semaphore(%arg12 : memref<!tpu.dma_semaphore, #tpu.memory_space<semaphore_mem>>) src(%dma_wait3A_82 : memref<10000x64xf32, #tpu.memory_space<hbm>>) dst(%dma_wait3A_76 : memref<80x64xf32, #tpu.memory_space<vmem>>)
      %run_scoped3A = arith.constant 0 : i32
      "tpu.region"() ({
        %run_scoped3A_179 = tpu.sem_alloc : memref<!tpu.dma_semaphore, #tpu.memory_space<semaphore_mem>>
        %dma_start3A_180 = arith.constant 0 : i32
        %dma_start3A_181 = arith.constant 0 : i32
        %dma_start3A_182 = tpu.memref_slice %arg9[%run_scoped3A, %dma_start3A_180, %dma_start3A_181] : memref<5x80x64xf32, #tpu.memory_space<vmem>> -> memref<1x80x64xf32, #tpu.memory_space<vmem>>
        %dma_start3A_183 = tpu.memref_squeeze %dma_start3A_182 : memref<1x80x64xf32, #tpu.memory_space<vmem>> -> memref<80x64xf32, #tpu.memory_space<vmem>>
        %dma_start3A_184 = arith.constant 0 : i32
        %dma_start3A_185 = tpu.memref_slice %arg8[%add3A_72, %dma_start3A_184] : memref<125x80xi32, #tpu.memory_space<vmem>> -> memref<1x80xi32, #tpu.memory_space<vmem>>
        %dma_start3A_186 = tpu.memref_squeeze %dma_start3A_185 : memref<1x80xi32, #tpu.memory_space<vmem>> -> memref<80xi32, #tpu.memory_space<vmem>>
        %dma_start3A_187 = arith.constant 0 : i32
        %dma_start3A_188 = arith.constant 0 : i32
        %dma_start3A_189 = tpu.memref_slice %arg11[%dma_start3A_187, %dma_start3A_188] : memref<10240x64xf32, #tpu.memory_space<vmem_shared>> -> memref<10240x64xf32, #tpu.memory_space<vmem_shared>>
        tpu.enqueue_indirect_dma source(%dma_start3A_183 : memref<80x64xf32, #tpu.memory_space<vmem>>) target(%dma_start3A_189 : memref<10240x64xf32, #tpu.memory_space<vmem_shared>>) offsets(%dma_start3A_186 : memref<80xi32, #tpu.memory_space<vmem>>) semaphore(%run_scoped3A_179 : memref<!tpu.dma_semaphore, #tpu.memory_space<semaphore_mem>>) {add = true}
        %dma_wait3A_190 = arith.constant 0 : i32
        %dma_wait3A_191 = arith.constant 0 : i32
        %dma_wait3A_192 = tpu.memref_slice %arg9[%run_scoped3A, %dma_wait3A_190, %dma_wait3A_191] : memref<5x80x64xf32, #tpu.memory_space<vmem>> -> memref<1x80x64xf32, #tpu.memory_space<vmem>>
        %dma_wait3A_193 = tpu.memref_squeeze %dma_wait3A_192 : memref<1x80x64xf32, #tpu.memory_space<vmem>> -> memref<80x64xf32, #tpu.memory_space<vmem>>
        %dma_wait3A_194 = arith.constant 0 : i32
        %dma_wait3A_195 = tpu.memref_slice %arg8[%add3A_72, %dma_wait3A_194] : memref<125x80xi32, #tpu.memory_space<vmem>> -> memref<1x80xi32, #tpu.memory_space<vmem>>
        %dma_wait3A_196 = tpu.memref_squeeze %dma_wait3A_195 : memref<1x80xi32, #tpu.memory_space<vmem>> -> memref<80xi32, #tpu.memory_space<vmem>>
        %dma_wait3A_197 = arith.constant 0 : i32
        %dma_wait3A_198 = arith.constant 0 : i32
        %dma_wait3A_199 = tpu.memref_slice %arg11[%dma_wait3A_197, %dma_wait3A_198] : memref<10240x64xf32, #tpu.memory_space<vmem_shared>> -> memref<10240x64xf32, #tpu.memory_space<vmem_shared>>
        tpu.wait_indirect_dma semaphore(%run_scoped3A_179 : memref<!tpu.dma_semaphore, #tpu.memory_space<semaphore_mem>>) src(%dma_wait3A_193 : memref<80x64xf32, #tpu.memory_space<vmem>>) dst(%dma_wait3A_199 : memref<10240x64xf32, #tpu.memory_space<vmem_shared>>)
        tpu.yield
      }) : () -> ()
      %add3A_83 = arith.constant 5 : i32
      %add3A_84 = arith.addi %add3A_72, %add3A_83 : i32
      %lt3A = arith.constant 125 : i32
      %lt3A_85 = arith.cmpi slt, %add3A_84, %lt3A : i32
      %convert_element_type3A = arith.extui %lt3A_85 : i1 to i32
      %cond3A = arith.constant 0 : i32
      %cond3A_86 = arith.cmpi ne, %convert_element_type3A, %cond3A : i32
      scf.if %cond3A_86 {
        %dma_start3A_179 = arith.constant 0 : i32
        %dma_start3A_180 = arith.constant 0 : i32
        %dma_start3A_181 = arith.constant 0 : i32
        %dma_start3A_182 = tpu.memref_slice %arg9[%dma_start3A_179, %dma_start3A_180, %dma_start3A_181] : memref<5x80x64xf32, #tpu.memory_space<vmem>> -> memref<1x80x64xf32, #tpu.memory_space<vmem>>
        %dma_start3A_183 = tpu.memref_squeeze %dma_start3A_182 : memref<1x80x64xf32, #tpu.memory_space<vmem>> -> memref<80x64xf32, #tpu.memory_space<vmem>>
        %dma_start3A_184 = arith.constant 0 : i32
        %dma_start3A_185 = tpu.memref_slice %arg7[%add3A_84, %dma_start3A_184] : memref<125x80xi32, #tpu.memory_space<vmem>> -> memref<1x80xi32, #tpu.memory_space<vmem>>
        %dma_start3A_186 = tpu.memref_squeeze %dma_start3A_185 : memref<1x80xi32, #tpu.memory_space<vmem>> -> memref<80xi32, #tpu.memory_space<vmem>>
        %dma_start3A_187 = arith.constant 0 : i32
        %dma_start3A_188 = arith.constant 0 : i32
        %dma_start3A_189 = tpu.memref_slice %arg2[%dma_start3A_187, %dma_start3A_188] : memref<10000x64xf32, #tpu.memory_space<hbm>> -> memref<10000x64xf32, #tpu.memory_space<hbm>>
        tpu.enqueue_indirect_dma source(%dma_start3A_189 : memref<10000x64xf32, #tpu.memory_space<hbm>>) target(%dma_start3A_183 : memref<80x64xf32, #tpu.memory_space<vmem>>) offsets(%dma_start3A_186 : memref<80xi32, #tpu.memory_space<vmem>>) semaphore(%arg12 : memref<!tpu.dma_semaphore, #tpu.memory_space<semaphore_mem>>)
      } else {
      }
      %mul3A_87 = arith.constant 5 : i32
      %mul3A_88 = arith.muli %scan3A_68, %mul3A_87 : i32
      %add3A_89 = arith.constant 1 : i32
      %add3A_90 = arith.addi %mul3A_88, %add3A_89 : i32
      %dma_wait3A_91 = arith.constant 1 : i32
      %dma_wait3A_92 = arith.constant 0 : i32
      %dma_wait3A_93 = arith.constant 0 : i32
      %dma_wait3A_94 = tpu.memref_slice %arg9[%dma_wait3A_91, %dma_wait3A_92, %dma_wait3A_93] : memref<5x80x64xf32, #tpu.memory_space<vmem>> -> memref<1x80x64xf32, #tpu.memory_space<vmem>>
      %dma_wait3A_95 = tpu.memref_squeeze %dma_wait3A_94 : memref<1x80x64xf32, #tpu.memory_space<vmem>> -> memref<80x64xf32, #tpu.memory_space<vmem>>
      %dma_wait3A_96 = arith.constant 0 : i32
      %dma_wait3A_97 = tpu.memref_slice %arg7[%add3A_90, %dma_wait3A_96] : memref<125x80xi32, #tpu.memory_space<vmem>> -> memref<1x80xi32, #tpu.memory_space<vmem>>
      %dma_wait3A_98 = tpu.memref_squeeze %dma_wait3A_97 : memref<1x80xi32, #tpu.memory_space<vmem>> -> memref<80xi32, #tpu.memory_space<vmem>>
      %dma_wait3A_99 = arith.constant 0 : i32
      %dma_wait3A_100 = arith.constant 0 : i32
      %dma_wait3A_101 = tpu.memref_slice %arg2[%dma_wait3A_99, %dma_wait3A_100] : memref<10000x64xf32, #tpu.memory_space<hbm>> -> memref<10000x64xf32, #tpu.memory_space<hbm>>
      tpu.wait_indirect_dma semaphore(%arg13 : memref<!tpu.dma_semaphore, #tpu.memory_space<semaphore_mem>>) src(%dma_wait3A_101 : memref<10000x64xf32, #tpu.memory_space<hbm>>) dst(%dma_wait3A_95 : memref<80x64xf32, #tpu.memory_space<vmem>>)
      %run_scoped3A_102 = arith.constant 1 : i32
      "tpu.region"() ({
        %run_scoped3A_179 = tpu.sem_alloc : memref<!tpu.dma_semaphore, #tpu.memory_space<semaphore_mem>>
        %dma_start3A_180 = arith.constant 0 : i32
        %dma_start3A_181 = arith.constant 0 : i32
        %dma_start3A_182 = tpu.memref_slice %arg9[%run_scoped3A_102, %dma_start3A_180, %dma_start3A_181] : memref<5x80x64xf32, #tpu.memory_space<vmem>> -> memref<1x80x64xf32, #tpu.memory_space<vmem>>
        %dma_start3A_183 = tpu.memref_squeeze %dma_start3A_182 : memref<1x80x64xf32, #tpu.memory_space<vmem>> -> memref<80x64xf32, #tpu.memory_space<vmem>>
        %dma_start3A_184 = arith.constant 0 : i32
        %dma_start3A_185 = tpu.memref_slice %arg8[%add3A_90, %dma_start3A_184] : memref<125x80xi32, #tpu.memory_space<vmem>> -> memref<1x80xi32, #tpu.memory_space<vmem>>
        %dma_start3A_186 = tpu.memref_squeeze %dma_start3A_185 : memref<1x80xi32, #tpu.memory_space<vmem>> -> memref<80xi32, #tpu.memory_space<vmem>>
        %dma_start3A_187 = arith.constant 0 : i32
        %dma_start3A_188 = arith.constant 0 : i32
        %dma_start3A_189 = tpu.memref_slice %arg11[%dma_start3A_187, %dma_start3A_188] : memref<10240x64xf32, #tpu.memory_space<vmem_shared>> -> memref<10240x64xf32, #tpu.memory_space<vmem_shared>>
        tpu.enqueue_indirect_dma source(%dma_start3A_183 : memref<80x64xf32, #tpu.memory_space<vmem>>) target(%dma_start3A_189 : memref<10240x64xf32, #tpu.memory_space<vmem_shared>>) offsets(%dma_start3A_186 : memref<80xi32, #tpu.memory_space<vmem>>) semaphore(%run_scoped3A_179 : memref<!tpu.dma_semaphore, #tpu.memory_space<semaphore_mem>>) {add = true}
        %dma_wait3A_190 = arith.constant 0 : i32
        %dma_wait3A_191 = arith.constant 0 : i32
        %dma_wait3A_192 = tpu.memref_slice %arg9[%run_scoped3A_102, %dma_wait3A_190, %dma_wait3A_191] : memref<5x80x64xf32, #tpu.memory_space<vmem>> -> memref<1x80x64xf32, #tpu.memory_space<vmem>>
        %dma_wait3A_193 = tpu.memref_squeeze %dma_wait3A_192 : memref<1x80x64xf32, #tpu.memory_space<vmem>> -> memref<80x64xf32, #tpu.memory_space<vmem>>
        %dma_wait3A_194 = arith.constant 0 : i32
        %dma_wait3A_195 = tpu.memref_slice %arg8[%add3A_90, %dma_wait3A_194] : memref<125x80xi32, #tpu.memory_space<vmem>> -> memref<1x80xi32, #tpu.memory_space<vmem>>
        %dma_wait3A_196 = tpu.memref_squeeze %dma_wait3A_195 : memref<1x80xi32, #tpu.memory_space<vmem>> -> memref<80xi32, #tpu.memory_space<vmem>>
        %dma_wait3A_197 = arith.constant 0 : i32
        %dma_wait3A_198 = arith.constant 0 : i32
        %dma_wait3A_199 = tpu.memref_slice %arg11[%dma_wait3A_197, %dma_wait3A_198] : memref<10240x64xf32, #tpu.memory_space<vmem_shared>> -> memref<10240x64xf32, #tpu.memory_space<vmem_shared>>
        tpu.wait_indirect_dma semaphore(%run_scoped3A_179 : memref<!tpu.dma_semaphore, #tpu.memory_space<semaphore_mem>>) src(%dma_wait3A_193 : memref<80x64xf32, #tpu.memory_space<vmem>>) dst(%dma_wait3A_199 : memref<10240x64xf32, #tpu.memory_space<vmem_shared>>)
        tpu.yield
      }) : () -> ()
      %add3A_103 = arith.constant 5 : i32
      %add3A_104 = arith.addi %add3A_90, %add3A_103 : i32
      %lt3A_105 = arith.constant 125 : i32
      %lt3A_106 = arith.cmpi slt, %add3A_104, %lt3A_105 : i32
      %convert_element_type3A_107 = arith.extui %lt3A_106 : i1 to i32
      %cond3A_108 = arith.constant 0 : i32
      %cond3A_109 = arith.cmpi ne, %convert_element_type3A_107, %cond3A_108 : i32
      scf.if %cond3A_109 {
        %dma_start3A_179 = arith.constant 1 : i32
        %dma_start3A_180 = arith.constant 0 : i32
        %dma_start3A_181 = arith.constant 0 : i32
        %dma_start3A_182 = tpu.memref_slice %arg9[%dma_start3A_179, %dma_start3A_180, %dma_start3A_181] : memref<5x80x64xf32, #tpu.memory_space<vmem>> -> memref<1x80x64xf32, #tpu.memory_space<vmem>>
        %dma_start3A_183 = tpu.memref_squeeze %dma_start3A_182 : memref<1x80x64xf32, #tpu.memory_space<vmem>> -> memref<80x64xf32, #tpu.memory_space<vmem>>
        %dma_start3A_184 = arith.constant 0 : i32
        %dma_start3A_185 = tpu.memref_slice %arg7[%add3A_104, %dma_start3A_184] : memref<125x80xi32, #tpu.memory_space<vmem>> -> memref<1x80xi32, #tpu.memory_space<vmem>>
        %dma_start3A_186 = tpu.memref_squeeze %dma_start3A_185 : memref<1x80xi32, #tpu.memory_space<vmem>> -> memref<80xi32, #tpu.memory_space<vmem>>
        %dma_start3A_187 = arith.constant 0 : i32
        %dma_start3A_188 = arith.constant 0 : i32
        %dma_start3A_189 = tpu.memref_slice %arg2[%dma_start3A_187, %dma_start3A_188] : memref<10000x64xf32, #tpu.memory_space<hbm>> -> memref<10000x64xf32, #tpu.memory_space<hbm>>
        tpu.enqueue_indirect_dma source(%dma_start3A_189 : memref<10000x64xf32, #tpu.memory_space<hbm>>) target(%dma_start3A_183 : memref<80x64xf32, #tpu.memory_space<vmem>>) offsets(%dma_start3A_186 : memref<80xi32, #tpu.memory_space<vmem>>) semaphore(%arg13 : memref<!tpu.dma_semaphore, #tpu.memory_space<semaphore_mem>>)
      } else {
      }
      %mul3A_110 = arith.constant 5 : i32
      %mul3A_111 = arith.muli %scan3A_68, %mul3A_110 : i32
      %add3A_112 = arith.constant 2 : i32
      %add3A_113 = arith.addi %mul3A_111, %add3A_112 : i32
      %dma_wait3A_114 = arith.constant 2 : i32
      %dma_wait3A_115 = arith.constant 0 : i32
      %dma_wait3A_116 = arith.constant 0 : i32
      %dma_wait3A_117 = tpu.memref_slice %arg9[%dma_wait3A_114, %dma_wait3A_115, %dma_wait3A_116] : memref<5x80x64xf32, #tpu.memory_space<vmem>> -> memref<1x80x64xf32, #tpu.memory_space<vmem>>
      %dma_wait3A_118 = tpu.memref_squeeze %dma_wait3A_117 : memref<1x80x64xf32, #tpu.memory_space<vmem>> -> memref<80x64xf32, #tpu.memory_space<vmem>>
      %dma_wait3A_119 = arith.constant 0 : i32
      %dma_wait3A_120 = tpu.memref_slice %arg7[%add3A_113, %dma_wait3A_119] : memref<125x80xi32, #tpu.memory_space<vmem>> -> memref<1x80xi32, #tpu.memory_space<vmem>>
      %dma_wait3A_121 = tpu.memref_squeeze %dma_wait3A_120 : memref<1x80xi32, #tpu.memory_space<vmem>> -> memref<80xi32, #tpu.memory_space<vmem>>
      %dma_wait3A_122 = arith.constant 0 : i32
      %dma_wait3A_123 = arith.constant 0 : i32
      %dma_wait3A_124 = tpu.memref_slice %arg2[%dma_wait3A_122, %dma_wait3A_123] : memref<10000x64xf32, #tpu.memory_space<hbm>> -> memref<10000x64xf32, #tpu.memory_space<hbm>>
      tpu.wait_indirect_dma semaphore(%arg14 : memref<!tpu.dma_semaphore, #tpu.memory_space<semaphore_mem>>) src(%dma_wait3A_124 : memref<10000x64xf32, #tpu.memory_space<hbm>>) dst(%dma_wait3A_118 : memref<80x64xf32, #tpu.memory_space<vmem>>)
      %run_scoped3A_125 = arith.constant 2 : i32
      "tpu.region"() ({
        %run_scoped3A_179 = tpu.sem_alloc : memref<!tpu.dma_semaphore, #tpu.memory_space<semaphore_mem>>
        %dma_start3A_180 = arith.constant 0 : i32
        %dma_start3A_181 = arith.constant 0 : i32
        %dma_start3A_182 = tpu.memref_slice %arg9[%run_scoped3A_125, %dma_start3A_180, %dma_start3A_181] : memref<5x80x64xf32, #tpu.memory_space<vmem>> -> memref<1x80x64xf32, #tpu.memory_space<vmem>>
        %dma_start3A_183 = tpu.memref_squeeze %dma_start3A_182 : memref<1x80x64xf32, #tpu.memory_space<vmem>> -> memref<80x64xf32, #tpu.memory_space<vmem>>
        %dma_start3A_184 = arith.constant 0 : i32
        %dma_start3A_185 = tpu.memref_slice %arg8[%add3A_113, %dma_start3A_184] : memref<125x80xi32, #tpu.memory_space<vmem>> -> memref<1x80xi32, #tpu.memory_space<vmem>>
        %dma_start3A_186 = tpu.memref_squeeze %dma_start3A_185 : memref<1x80xi32, #tpu.memory_space<vmem>> -> memref<80xi32, #tpu.memory_space<vmem>>
        %dma_start3A_187 = arith.constant 0 : i32
        %dma_start3A_188 = arith.constant 0 : i32
        %dma_start3A_189 = tpu.memref_slice %arg11[%dma_start3A_187, %dma_start3A_188] : memref<10240x64xf32, #tpu.memory_space<vmem_shared>> -> memref<10240x64xf32, #tpu.memory_space<vmem_shared>>
        tpu.enqueue_indirect_dma source(%dma_start3A_183 : memref<80x64xf32, #tpu.memory_space<vmem>>) target(%dma_start3A_189 : memref<10240x64xf32, #tpu.memory_space<vmem_shared>>) offsets(%dma_start3A_186 : memref<80xi32, #tpu.memory_space<vmem>>) semaphore(%run_scoped3A_179 : memref<!tpu.dma_semaphore, #tpu.memory_space<semaphore_mem>>) {add = true}
        %dma_wait3A_190 = arith.constant 0 : i32
        %dma_wait3A_191 = arith.constant 0 : i32
        %dma_wait3A_192 = tpu.memref_slice %arg9[%run_scoped3A_125, %dma_wait3A_190, %dma_wait3A_191] : memref<5x80x64xf32, #tpu.memory_space<vmem>> -> memref<1x80x64xf32, #tpu.memory_space<vmem>>
        %dma_wait3A_193 = tpu.memref_squeeze %dma_wait3A_192 : memref<1x80x64xf32, #tpu.memory_space<vmem>> -> memref<80x64xf32, #tpu.memory_space<vmem>>
        %dma_wait3A_194 = arith.constant 0 : i32
        %dma_wait3A_195 = tpu.memref_slice %arg8[%add3A_113, %dma_wait3A_194] : memref<125x80xi32, #tpu.memory_space<vmem>> -> memref<1x80xi32, #tpu.memory_space<vmem>>
        %dma_wait3A_196 = tpu.memref_squeeze %dma_wait3A_195 : memref<1x80xi32, #tpu.memory_space<vmem>> -> memref<80xi32, #tpu.memory_space<vmem>>
        %dma_wait3A_197 = arith.constant 0 : i32
        %dma_wait3A_198 = arith.constant 0 : i32
        %dma_wait3A_199 = tpu.memref_slice %arg11[%dma_wait3A_197, %dma_wait3A_198] : memref<10240x64xf32, #tpu.memory_space<vmem_shared>> -> memref<10240x64xf32, #tpu.memory_space<vmem_shared>>
        tpu.wait_indirect_dma semaphore(%run_scoped3A_179 : memref<!tpu.dma_semaphore, #tpu.memory_space<semaphore_mem>>) src(%dma_wait3A_193 : memref<80x64xf32, #tpu.memory_space<vmem>>) dst(%dma_wait3A_199 : memref<10240x64xf32, #tpu.memory_space<vmem_shared>>)
        tpu.yield
      }) : () -> ()
      %add3A_126 = arith.constant 5 : i32
      %add3A_127 = arith.addi %add3A_113, %add3A_126 : i32
      %lt3A_128 = arith.constant 125 : i32
      %lt3A_129 = arith.cmpi slt, %add3A_127, %lt3A_128 : i32
      %convert_element_type3A_130 = arith.extui %lt3A_129 : i1 to i32
      %cond3A_131 = arith.constant 0 : i32
      %cond3A_132 = arith.cmpi ne, %convert_element_type3A_130, %cond3A_131 : i32
      scf.if %cond3A_132 {
        %dma_start3A_179 = arith.constant 2 : i32
        %dma_start3A_180 = arith.constant 0 : i32
        %dma_start3A_181 = arith.constant 0 : i32
        %dma_start3A_182 = tpu.memref_slice %arg9[%dma_start3A_179, %dma_start3A_180, %dma_start3A_181] : memref<5x80x64xf32, #tpu.memory_space<vmem>> -> memref<1x80x64xf32, #tpu.memory_space<vmem>>
        %dma_start3A_183 = tpu.memref_squeeze %dma_start3A_182 : memref<1x80x64xf32, #tpu.memory_space<vmem>> -> memref<80x64xf32, #tpu.memory_space<vmem>>
        %dma_start3A_184 = arith.constant 0 : i32
        %dma_start3A_185 = tpu.memref_slice %arg7[%add3A_127, %dma_start3A_184] : memref<125x80xi32, #tpu.memory_space<vmem>> -> memref<1x80xi32, #tpu.memory_space<vmem>>
        %dma_start3A_186 = tpu.memref_squeeze %dma_start3A_185 : memref<1x80xi32, #tpu.memory_space<vmem>> -> memref<80xi32, #tpu.memory_space<vmem>>
        %dma_start3A_187 = arith.constant 0 : i32
        %dma_start3A_188 = arith.constant 0 : i32
        %dma_start3A_189 = tpu.memref_slice %arg2[%dma_start3A_187, %dma_start3A_188] : memref<10000x64xf32, #tpu.memory_space<hbm>> -> memref<10000x64xf32, #tpu.memory_space<hbm>>
        tpu.enqueue_indirect_dma source(%dma_start3A_189 : memref<10000x64xf32, #tpu.memory_space<hbm>>) target(%dma_start3A_183 : memref<80x64xf32, #tpu.memory_space<vmem>>) offsets(%dma_start3A_186 : memref<80xi32, #tpu.memory_space<vmem>>) semaphore(%arg14 : memref<!tpu.dma_semaphore, #tpu.memory_space<semaphore_mem>>)
      } else {
      }
      %mul3A_133 = arith.constant 5 : i32
      %mul3A_134 = arith.muli %scan3A_68, %mul3A_133 : i32
      %add3A_135 = arith.constant 3 : i32
      %add3A_136 = arith.addi %mul3A_134, %add3A_135 : i32
      %dma_wait3A_137 = arith.constant 3 : i32
      %dma_wait3A_138 = arith.constant 0 : i32
      %dma_wait3A_139 = arith.constant 0 : i32
      %dma_wait3A_140 = tpu.memref_slice %arg9[%dma_wait3A_137, %dma_wait3A_138, %dma_wait3A_139] : memref<5x80x64xf32, #tpu.memory_space<vmem>> -> memref<1x80x64xf32, #tpu.memory_space<vmem>>
      %dma_wait3A_141 = tpu.memref_squeeze %dma_wait3A_140 : memref<1x80x64xf32, #tpu.memory_space<vmem>> -> memref<80x64xf32, #tpu.memory_space<vmem>>
      %dma_wait3A_142 = arith.constant 0 : i32
      %dma_wait3A_143 = tpu.memref_slice %arg7[%add3A_136, %dma_wait3A_142] : memref<125x80xi32, #tpu.memory_space<vmem>> -> memref<1x80xi32, #tpu.memory_space<vmem>>
      %dma_wait3A_144 = tpu.memref_squeeze %dma_wait3A_143 : memref<1x80xi32, #tpu.memory_space<vmem>> -> memref<80xi32, #tpu.memory_space<vmem>>
      %dma_wait3A_145 = arith.constant 0 : i32
      %dma_wait3A_146 = arith.constant 0 : i32
      %dma_wait3A_147 = tpu.memref_slice %arg2[%dma_wait3A_145, %dma_wait3A_146] : memref<10000x64xf32, #tpu.memory_space<hbm>> -> memref<10000x64xf32, #tpu.memory_space<hbm>>
      tpu.wait_indirect_dma semaphore(%arg15 : memref<!tpu.dma_semaphore, #tpu.memory_space<semaphore_mem>>) src(%dma_wait3A_147 : memref<10000x64xf32, #tpu.memory_space<hbm>>) dst(%dma_wait3A_141 : memref<80x64xf32, #tpu.memory_space<vmem>>)
      %run_scoped3A_148 = arith.constant 3 : i32
      "tpu.region"() ({
        %run_scoped3A_179 = tpu.sem_alloc : memref<!tpu.dma_semaphore, #tpu.memory_space<semaphore_mem>>
        %dma_start3A_180 = arith.constant 0 : i32
        %dma_start3A_181 = arith.constant 0 : i32
        %dma_start3A_182 = tpu.memref_slice %arg9[%run_scoped3A_148, %dma_start3A_180, %dma_start3A_181] : memref<5x80x64xf32, #tpu.memory_space<vmem>> -> memref<1x80x64xf32, #tpu.memory_space<vmem>>
        %dma_start3A_183 = tpu.memref_squeeze %dma_start3A_182 : memref<1x80x64xf32, #tpu.memory_space<vmem>> -> memref<80x64xf32, #tpu.memory_space<vmem>>
        %dma_start3A_184 = arith.constant 0 : i32
        %dma_start3A_185 = tpu.memref_slice %arg8[%add3A_136, %dma_start3A_184] : memref<125x80xi32, #tpu.memory_space<vmem>> -> memref<1x80xi32, #tpu.memory_space<vmem>>
        %dma_start3A_186 = tpu.memref_squeeze %dma_start3A_185 : memref<1x80xi32, #tpu.memory_space<vmem>> -> memref<80xi32, #tpu.memory_space<vmem>>
        %dma_start3A_187 = arith.constant 0 : i32
        %dma_start3A_188 = arith.constant 0 : i32
        %dma_start3A_189 = tpu.memref_slice %arg11[%dma_start3A_187, %dma_start3A_188] : memref<10240x64xf32, #tpu.memory_space<vmem_shared>> -> memref<10240x64xf32, #tpu.memory_space<vmem_shared>>
        tpu.enqueue_indirect_dma source(%dma_start3A_183 : memref<80x64xf32, #tpu.memory_space<vmem>>) target(%dma_start3A_189 : memref<10240x64xf32, #tpu.memory_space<vmem_shared>>) offsets(%dma_start3A_186 : memref<80xi32, #tpu.memory_space<vmem>>) semaphore(%run_scoped3A_179 : memref<!tpu.dma_semaphore, #tpu.memory_space<semaphore_mem>>) {add = true}
        %dma_wait3A_190 = arith.constant 0 : i32
        %dma_wait3A_191 = arith.constant 0 : i32
        %dma_wait3A_192 = tpu.memref_slice %arg9[%run_scoped3A_148, %dma_wait3A_190, %dma_wait3A_191] : memref<5x80x64xf32, #tpu.memory_space<vmem>> -> memref<1x80x64xf32, #tpu.memory_space<vmem>>
        %dma_wait3A_193 = tpu.memref_squeeze %dma_wait3A_192 : memref<1x80x64xf32, #tpu.memory_space<vmem>> -> memref<80x64xf32, #tpu.memory_space<vmem>>
        %dma_wait3A_194 = arith.constant 0 : i32
        %dma_wait3A_195 = tpu.memref_slice %arg8[%add3A_136, %dma_wait3A_194] : memref<125x80xi32, #tpu.memory_space<vmem>> -> memref<1x80xi32, #tpu.memory_space<vmem>>
        %dma_wait3A_196 = tpu.memref_squeeze %dma_wait3A_195 : memref<1x80xi32, #tpu.memory_space<vmem>> -> memref<80xi32, #tpu.memory_space<vmem>>
        %dma_wait3A_197 = arith.constant 0 : i32
        %dma_wait3A_198 = arith.constant 0 : i32
        %dma_wait3A_199 = tpu.memref_slice %arg11[%dma_wait3A_197, %dma_wait3A_198] : memref<10240x64xf32, #tpu.memory_space<vmem_shared>> -> memref<10240x64xf32, #tpu.memory_space<vmem_shared>>
        tpu.wait_indirect_dma semaphore(%run_scoped3A_179 : memref<!tpu.dma_semaphore, #tpu.memory_space<semaphore_mem>>) src(%dma_wait3A_193 : memref<80x64xf32, #tpu.memory_space<vmem>>) dst(%dma_wait3A_199 : memref<10240x64xf32, #tpu.memory_space<vmem_shared>>)
        tpu.yield
      }) : () -> ()
      %add3A_149 = arith.constant 5 : i32
      %add3A_150 = arith.addi %add3A_136, %add3A_149 : i32
      %lt3A_151 = arith.constant 125 : i32
      %lt3A_152 = arith.cmpi slt, %add3A_150, %lt3A_151 : i32
      %convert_element_type3A_153 = arith.extui %lt3A_152 : i1 to i32
      %cond3A_154 = arith.constant 0 : i32
      %cond3A_155 = arith.cmpi ne, %convert_element_type3A_153, %cond3A_154 : i32
      scf.if %cond3A_155 {
        %dma_start3A_179 = arith.constant 3 : i32
        %dma_start3A_180 = arith.constant 0 : i32
        %dma_start3A_181 = arith.constant 0 : i32
        %dma_start3A_182 = tpu.memref_slice %arg9[%dma_start3A_179, %dma_start3A_180, %dma_start3A_181] : memref<5x80x64xf32, #tpu.memory_space<vmem>> -> memref<1x80x64xf32, #tpu.memory_space<vmem>>
        %dma_start3A_183 = tpu.memref_squeeze %dma_start3A_182 : memref<1x80x64xf32, #tpu.memory_space<vmem>> -> memref<80x64xf32, #tpu.memory_space<vmem>>
        %dma_start3A_184 = arith.constant 0 : i32
        %dma_start3A_185 = tpu.memref_slice %arg7[%add3A_150, %dma_start3A_184] : memref<125x80xi32, #tpu.memory_space<vmem>> -> memref<1x80xi32, #tpu.memory_space<vmem>>
        %dma_start3A_186 = tpu.memref_squeeze %dma_start3A_185 : memref<1x80xi32, #tpu.memory_space<vmem>> -> memref<80xi32, #tpu.memory_space<vmem>>
        %dma_start3A_187 = arith.constant 0 : i32
        %dma_start3A_188 = arith.constant 0 : i32
        %dma_start3A_189 = tpu.memref_slice %arg2[%dma_start3A_187, %dma_start3A_188] : memref<10000x64xf32, #tpu.memory_space<hbm>> -> memref<10000x64xf32, #tpu.memory_space<hbm>>
        tpu.enqueue_indirect_dma source(%dma_start3A_189 : memref<10000x64xf32, #tpu.memory_space<hbm>>) target(%dma_start3A_183 : memref<80x64xf32, #tpu.memory_space<vmem>>) offsets(%dma_start3A_186 : memref<80xi32, #tpu.memory_space<vmem>>) semaphore(%arg15 : memref<!tpu.dma_semaphore, #tpu.memory_space<semaphore_mem>>)
      } else {
      }
      %mul3A_156 = arith.constant 5 : i32
      %mul3A_157 = arith.muli %scan3A_68, %mul3A_156 : i32
      %add3A_158 = arith.constant 4 : i32
      %add3A_159 = arith.addi %mul3A_157, %add3A_158 : i32
      %dma_wait3A_160 = arith.constant 4 : i32
      %dma_wait3A_161 = arith.constant 0 : i32
      %dma_wait3A_162 = arith.constant 0 : i32
      %dma_wait3A_163 = tpu.memref_slice %arg9[%dma_wait3A_160, %dma_wait3A_161, %dma_wait3A_162] : memref<5x80x64xf32, #tpu.memory_space<vmem>> -> memref<1x80x64xf32, #tpu.memory_space<vmem>>
      %dma_wait3A_164 = tpu.memref_squeeze %dma_wait3A_163 : memref<1x80x64xf32, #tpu.memory_space<vmem>> -> memref<80x64xf32, #tpu.memory_space<vmem>>
      %dma_wait3A_165 = arith.constant 0 : i32
      %dma_wait3A_166 = tpu.memref_slice %arg7[%add3A_159, %dma_wait3A_165] : memref<125x80xi32, #tpu.memory_space<vmem>> -> memref<1x80xi32, #tpu.memory_space<vmem>>
      %dma_wait3A_167 = tpu.memref_squeeze %dma_wait3A_166 : memref<1x80xi32, #tpu.memory_space<vmem>> -> memref<80xi32, #tpu.memory_space<vmem>>
      %dma_wait3A_168 = arith.constant 0 : i32
      %dma_wait3A_169 = arith.constant 0 : i32
      %dma_wait3A_170 = tpu.memref_slice %arg2[%dma_wait3A_168, %dma_wait3A_169] : memref<10000x64xf32, #tpu.memory_space<hbm>> -> memref<10000x64xf32, #tpu.memory_space<hbm>>
      tpu.wait_indirect_dma semaphore(%arg16 : memref<!tpu.dma_semaphore, #tpu.memory_space<semaphore_mem>>) src(%dma_wait3A_170 : memref<10000x64xf32, #tpu.memory_space<hbm>>) dst(%dma_wait3A_164 : memref<80x64xf32, #tpu.memory_space<vmem>>)
      %run_scoped3A_171 = arith.constant 4 : i32
      "tpu.region"() ({
        %run_scoped3A_179 = tpu.sem_alloc : memref<!tpu.dma_semaphore, #tpu.memory_space<semaphore_mem>>
        %dma_start3A_180 = arith.constant 0 : i32
        %dma_start3A_181 = arith.constant 0 : i32
        %dma_start3A_182 = tpu.memref_slice %arg9[%run_scoped3A_171, %dma_start3A_180, %dma_start3A_181] : memref<5x80x64xf32, #tpu.memory_space<vmem>> -> memref<1x80x64xf32, #tpu.memory_space<vmem>>
        %dma_start3A_183 = tpu.memref_squeeze %dma_start3A_182 : memref<1x80x64xf32, #tpu.memory_space<vmem>> -> memref<80x64xf32, #tpu.memory_space<vmem>>
        %dma_start3A_184 = arith.constant 0 : i32
        %dma_start3A_185 = tpu.memref_slice %arg8[%add3A_159, %dma_start3A_184] : memref<125x80xi32, #tpu.memory_space<vmem>> -> memref<1x80xi32, #tpu.memory_space<vmem>>
        %dma_start3A_186 = tpu.memref_squeeze %dma_start3A_185 : memref<1x80xi32, #tpu.memory_space<vmem>> -> memref<80xi32, #tpu.memory_space<vmem>>
        %dma_start3A_187 = arith.constant 0 : i32
        %dma_start3A_188 = arith.constant 0 : i32
        %dma_start3A_189 = tpu.memref_slice %arg11[%dma_start3A_187, %dma_start3A_188] : memref<10240x64xf32, #tpu.memory_space<vmem_shared>> -> memref<10240x64xf32, #tpu.memory_space<vmem_shared>>
        tpu.enqueue_indirect_dma source(%dma_start3A_183 : memref<80x64xf32, #tpu.memory_space<vmem>>) target(%dma_start3A_189 : memref<10240x64xf32, #tpu.memory_space<vmem_shared>>) offsets(%dma_start3A_186 : memref<80xi32, #tpu.memory_space<vmem>>) semaphore(%run_scoped3A_179 : memref<!tpu.dma_semaphore, #tpu.memory_space<semaphore_mem>>) {add = true}
        %dma_wait3A_190 = arith.constant 0 : i32
        %dma_wait3A_191 = arith.constant 0 : i32
        %dma_wait3A_192 = tpu.memref_slice %arg9[%run_scoped3A_171, %dma_wait3A_190, %dma_wait3A_191] : memref<5x80x64xf32, #tpu.memory_space<vmem>> -> memref<1x80x64xf32, #tpu.memory_space<vmem>>
        %dma_wait3A_193 = tpu.memref_squeeze %dma_wait3A_192 : memref<1x80x64xf32, #tpu.memory_space<vmem>> -> memref<80x64xf32, #tpu.memory_space<vmem>>
        %dma_wait3A_194 = arith.constant 0 : i32
        %dma_wait3A_195 = tpu.memref_slice %arg8[%add3A_159, %dma_wait3A_194] : memref<125x80xi32, #tpu.memory_space<vmem>> -> memref<1x80xi32, #tpu.memory_space<vmem>>
        %dma_wait3A_196 = tpu.memref_squeeze %dma_wait3A_195 : memref<1x80xi32, #tpu.memory_space<vmem>> -> memref<80xi32, #tpu.memory_space<vmem>>
        %dma_wait3A_197 = arith.constant 0 : i32
        %dma_wait3A_198 = arith.constant 0 : i32
        %dma_wait3A_199 = tpu.memref_slice %arg11[%dma_wait3A_197, %dma_wait3A_198] : memref<10240x64xf32, #tpu.memory_space<vmem_shared>> -> memref<10240x64xf32, #tpu.memory_space<vmem_shared>>
        tpu.wait_indirect_dma semaphore(%run_scoped3A_179 : memref<!tpu.dma_semaphore, #tpu.memory_space<semaphore_mem>>) src(%dma_wait3A_193 : memref<80x64xf32, #tpu.memory_space<vmem>>) dst(%dma_wait3A_199 : memref<10240x64xf32, #tpu.memory_space<vmem_shared>>)
        tpu.yield
      }) : () -> ()
      %add3A_172 = arith.constant 5 : i32
      %add3A_173 = arith.addi %add3A_159, %add3A_172 : i32
      %lt3A_174 = arith.constant 125 : i32
      %lt3A_175 = arith.cmpi slt, %add3A_173, %lt3A_174 : i32
      %convert_element_type3A_176 = arith.extui %lt3A_175 : i1 to i32
      %cond3A_177 = arith.constant 0 : i32
      %cond3A_178 = arith.cmpi ne, %convert_element_type3A_176, %cond3A_177 : i32
      scf.if %cond3A_178 {
        %dma_start3A_179 = arith.constant 4 : i32
        %dma_start3A_180 = arith.constant 0 : i32
        %dma_start3A_181 = arith.constant 0 : i32
        %dma_start3A_182 = tpu.memref_slice %arg9[%dma_start3A_179, %dma_start3A_180, %dma_start3A_181] : memref<5x80x64xf32, #tpu.memory_space<vmem>> -> memref<1x80x64xf32, #tpu.memory_space<vmem>>
        %dma_start3A_183 = tpu.memref_squeeze %dma_start3A_182 : memref<1x80x64xf32, #tpu.memory_space<vmem>> -> memref<80x64xf32, #tpu.memory_space<vmem>>
        %dma_start3A_184 = arith.constant 0 : i32
        %dma_start3A_185 = tpu.memref_slice %arg7[%add3A_173, %dma_start3A_184] : memref<125x80xi32, #tpu.memory_space<vmem>> -> memref<1x80xi32, #tpu.memory_space<vmem>>
        %dma_start3A_186 = tpu.memref_squeeze %dma_start3A_185 : memref<1x80xi32, #tpu.memory_space<vmem>> -> memref<80xi32, #tpu.memory_space<vmem>>
        %dma_start3A_187 = arith.constant 0 : i32
        %dma_start3A_188 = arith.constant 0 : i32
        %dma_start3A_189 = tpu.memref_slice %arg2[%dma_start3A_187, %dma_start3A_188] : memref<10000x64xf32, #tpu.memory_space<hbm>> -> memref<10000x64xf32, #tpu.memory_space<hbm>>
        tpu.enqueue_indirect_dma source(%dma_start3A_189 : memref<10000x64xf32, #tpu.memory_space<hbm>>) target(%dma_start3A_183 : memref<80x64xf32, #tpu.memory_space<vmem>>) offsets(%dma_start3A_186 : memref<80xi32, #tpu.memory_space<vmem>>) semaphore(%arg16 : memref<!tpu.dma_semaphore, #tpu.memory_space<semaphore_mem>>)
      } else {
      }
    }
    %scan3A_66 = arith.constant 25 : i32
    %barrier3A_67 = arith.constant 0 : index
    tpu.barrier barrier_id(%barrier3A_67)
    "tpu.region"() ({
      %run_scoped3A = tpu.sem_alloc : memref<!tpu.dma_semaphore, #tpu.memory_space<semaphore_mem>>
      %dma_start3A_68 = arith.constant 0 : i32
      %dma_start3A_69 = tpu.memref_slice %arg11[%mul3A_2, %dma_start3A_68] : memref<10240x64xf32, #tpu.memory_space<vmem_shared>> -> memref<640x64xf32, #tpu.memory_space<vmem_shared>>
      %dma_start3A_70 = arith.constant 0 : i32
      %dma_start3A_71 = tpu.memref_slice %arg11[%mul3A_2, %dma_start3A_70] : memref<10240x64xf32, #tpu.memory_space<vmem_shared>> -> memref<640x64xf32, #tpu.memory_space<vmem_shared>>
      tpu.enqueue_dma source(%dma_start3A_71 : memref<640x64xf32, #tpu.memory_space<vmem_shared>>) target(%arg10 : memref<640x64xf32, #tpu.memory_space<vmem>>) target_semaphore(%run_scoped3A : memref<!tpu.dma_semaphore, #tpu.memory_space<semaphore_mem>>)
      %dma_wait3A = arith.constant 0 : i32
      %dma_wait3A_72 = tpu.memref_slice %arg11[%mul3A_2, %dma_wait3A] : memref<10240x64xf32, #tpu.memory_space<vmem_shared>> -> memref<640x64xf32, #tpu.memory_space<vmem_shared>>
      %dma_wait3A_73 = arith.constant 0 : i32
      %dma_wait3A_74 = tpu.memref_slice %arg11[%mul3A_2, %dma_wait3A_73] : memref<10240x64xf32, #tpu.memory_space<vmem_shared>> -> memref<640x64xf32, #tpu.memory_space<vmem_shared>>
      tpu.wait_dma2 semaphore(%run_scoped3A : memref<!tpu.dma_semaphore, #tpu.memory_space<semaphore_mem>>) src(%dma_wait3A_74 : memref<640x64xf32, #tpu.memory_space<vmem_shared>>) dst(%arg10 : memref<640x64xf32, #tpu.memory_space<vmem>>)
      tpu.yield
    }) : () -> ()
    "tpu.region"() ({
      %run_scoped3A = tpu.sem_alloc : memref<!tpu.dma_semaphore, #tpu.memory_space<semaphore_mem>>
      %dma_start3A_68 = arith.constant 0 : i32
      %dma_start3A_69 = tpu.memref_slice %arg6[%arg0, %mul3A_2, %dma_start3A_68] : memref<2x10240x64xf32, #tpu.memory_space<hbm>> -> memref<1x640x64xf32, #tpu.memory_space<hbm>>
      %dma_start3A_70 = tpu.memref_squeeze %dma_start3A_69 : memref<1x640x64xf32, #tpu.memory_space<hbm>> -> memref<640x64xf32, #tpu.memory_space<hbm>>
      %dma_start3A_71 = arith.constant 0 : i32
      %dma_start3A_72 = tpu.memref_slice %arg6[%arg0, %mul3A_2, %dma_start3A_71] : memref<2x10240x64xf32, #tpu.memory_space<hbm>> -> memref<1x640x64xf32, #tpu.memory_space<hbm>>
      %dma_start3A_73 = tpu.memref_squeeze %dma_start3A_72 : memref<1x640x64xf32, #tpu.memory_space<hbm>> -> memref<640x64xf32, #tpu.memory_space<hbm>>
      tpu.enqueue_dma source(%arg10 : memref<640x64xf32, #tpu.memory_space<vmem>>) target(%dma_start3A_73 : memref<640x64xf32, #tpu.memory_space<hbm>>) target_semaphore(%run_scoped3A : memref<!tpu.dma_semaphore, #tpu.memory_space<semaphore_mem>>)
      %dma_wait3A = arith.constant 0 : i32
      %dma_wait3A_74 = tpu.memref_slice %arg6[%arg0, %mul3A_2, %dma_wait3A] : memref<2x10240x64xf32, #tpu.memory_space<hbm>> -> memref<1x640x64xf32, #tpu.memory_space<hbm>>
      %dma_wait3A_75 = tpu.memref_squeeze %dma_wait3A_74 : memref<1x640x64xf32, #tpu.memory_space<hbm>> -> memref<640x64xf32, #tpu.memory_space<hbm>>
      %dma_wait3A_76 = arith.constant 0 : i32
      %dma_wait3A_77 = tpu.memref_slice %arg6[%arg0, %mul3A_2, %dma_wait3A_76] : memref<2x10240x64xf32, #tpu.memory_space<hbm>> -> memref<1x640x64xf32, #tpu.memory_space<hbm>>
      %dma_wait3A_78 = tpu.memref_squeeze %dma_wait3A_77 : memref<1x640x64xf32, #tpu.memory_space<hbm>> -> memref<640x64xf32, #tpu.memory_space<hbm>>
      tpu.wait_dma2 semaphore(%run_scoped3A : memref<!tpu.dma_semaphore, #tpu.memory_space<semaphore_mem>>) src(%arg10 : memref<640x64xf32, #tpu.memory_space<vmem>>) dst(%dma_wait3A_78 : memref<640x64xf32, #tpu.memory_space<hbm>>)
      tpu.yield
    }) : () -> ()
    return
  }
}

module attributes {stable_mosaic.version = 14 : i64} {
  func.func @_tc_pre_body(%arg0: memref<10000x128xf32, #tpu.memory_space<vmem>>, %arg1: memref<128x64xf32, #tpu.memory_space<vmem>>, %arg2: memref<10000x64xf32, #tpu.memory_space<vmem>>) attributes {dimension_semantics = [], scalar_prefetch = 0 : i64, scratch_operands = 0 : i64, tpu.core_type = #tpu.core_type<tc>} {
    %get3A = arith.constant 0 : index
    %get3A_0 = arith.constant 0 : index
    %get3A_1 = vector.load %arg0[%get3A, %get3A_0] : memref<10000x128xf32, #tpu.memory_space<vmem>>, vector<10000x128xf32>
    %get3A_2 = arith.constant 0 : index
    %get3A_3 = arith.constant 0 : index
    %get3A_4 = vector.load %arg1[%get3A_2, %get3A_3] : memref<128x64xf32, #tpu.memory_space<vmem>>, vector<128x64xf32>
    %dot_general3A = arith.constant dense<0.000000e+00> : vector<10000x64xf32>
    %dot_general3A_5 = tpu.matmul %get3A_1, %get3A_4, %dot_general3A {dimension_numbers = #tpu.dot_dimension_numbers<[1], [0], [0], [1], [0, 0, 1, 1], [], []>, transpose_lhs_hint = false} : vector<10000x128xf32>, vector<128x64xf32>, vector<10000x64xf32> -> vector<10000x64xf32>
    %swap3A = arith.constant 0 : index
    %swap3A_6 = arith.constant 0 : index
    %swap3A_7 = vector.load %arg2[%swap3A, %swap3A_6] : memref<10000x64xf32, #tpu.memory_space<vmem>>, vector<10000x64xf32>
    tpu.vector_store %arg2[%swap3A, %swap3A_6], %dot_general3A_5 {strides = array<i32>} : memref<10000x64xf32, #tpu.memory_space<vmem>>, vector<10000x64xf32>,
    return
  }
}

module attributes {stable_mosaic.version = 14 : i64} {
  func.func @_tc_mid_body(%arg0: memref<10000x64xf32, #tpu.memory_space<vmem>>, %arg1: memref<2x10240x64xf32, #tpu.memory_space<vmem>>, %arg2: memref<2x10240x8xf32, #tpu.memory_space<vmem>>, %arg3: memref<1x64xf32, #tpu.memory_space<vmem>>, %arg4: memref<10000x64xf32, #tpu.memory_space<vmem>>, %arg5: memref<10000x64xf32, #tpu.memory_space<vmem>>) attributes {dimension_semantics = [], scalar_prefetch = 0 : i64, scratch_operands = 0 : i64, tpu.core_type = #tpu.core_type<tc>} {
    %get3A = arith.constant 0 : index
    %get3A_0 = arith.constant 0 : index
    %get3A_1 = arith.constant 0 : index
    %get3A_2 = vector.load %arg2[%get3A, %get3A_0, %get3A_1] : memref<2x10240x8xf32, #tpu.memory_space<vmem>>, vector<1x10000x1xf32>
    %get3A_3 = vector.shape_cast %get3A_2 : vector<1x10000x1xf32> to vector<10000x1xf32>
    %get3A_4 = arith.constant 1 : index
    %get3A_5 = arith.constant 0 : index
    %get3A_6 = arith.constant 0 : index
    %get3A_7 = vector.load %arg2[%get3A_4, %get3A_5, %get3A_6] : memref<2x10240x8xf32, #tpu.memory_space<vmem>>, vector<1x10000x1xf32>
    %get3A_8 = vector.shape_cast %get3A_7 : vector<1x10000x1xf32> to vector<10000x1xf32>
    %add3A = arith.addf %get3A_3, %get3A_8 : vector<10000x1xf32>
    %add3A_9 = arith.constant 1.000000e+00 : f32
    %add3A_10 = vector.broadcast %add3A_9 : f32 to vector<10000x1xf32>
    %add3A_11 = arith.addf %add3A, %add3A_10 : vector<10000x1xf32>
    %get3A_12 = arith.constant 0 : index
    %get3A_13 = arith.constant 0 : index
    %get3A_14 = vector.load %arg0[%get3A_12, %get3A_13] : memref<10000x64xf32, #tpu.memory_space<vmem>>, vector<10000x64xf32>
    %get3A_15 = arith.constant 0 : index
    %get3A_16 = arith.constant 0 : index
    %get3A_17 = arith.constant 0 : index
    %get3A_18 = vector.load %arg1[%get3A_15, %get3A_16, %get3A_17] : memref<2x10240x64xf32, #tpu.memory_space<vmem>>, vector<1x10000x64xf32>
    %get3A_19 = vector.shape_cast %get3A_18 : vector<1x10000x64xf32> to vector<10000x64xf32>
    %add3A_20 = arith.addf %get3A_14, %get3A_19 : vector<10000x64xf32>
    %get3A_21 = arith.constant 1 : index
    %get3A_22 = arith.constant 0 : index
    %get3A_23 = arith.constant 0 : index
    %get3A_24 = vector.load %arg1[%get3A_21, %get3A_22, %get3A_23] : memref<2x10240x64xf32, #tpu.memory_space<vmem>>, vector<1x10000x64xf32>
    %get3A_25 = vector.shape_cast %get3A_24 : vector<1x10000x64xf32> to vector<10000x64xf32>
    %add3A_26 = arith.addf %add3A_20, %get3A_25 : vector<10000x64xf32>
    %div3A = vector.broadcast %add3A_11 : vector<10000x1xf32> to vector<10000x64xf32>
    %div3A_27 = arith.divf %add3A_26, %div3A : vector<10000x64xf32>
    %get3A_28 = arith.constant 0 : index
    %get3A_29 = arith.constant 0 : index
    %get3A_30 = vector.load %arg3[%get3A_28, %get3A_29] : memref<1x64xf32, #tpu.memory_space<vmem>>, vector<1x64xf32>
    %add3A_31 = vector.broadcast %get3A_30 : vector<1x64xf32> to vector<10000x64xf32>
    %add3A_32 = arith.addf %div3A_27, %add3A_31 : vector<10000x64xf32>
    %swap3A = arith.constant 0 : index
    %swap3A_33 = arith.constant 0 : index
    %swap3A_34 = vector.load %arg4[%swap3A, %swap3A_33] : memref<10000x64xf32, #tpu.memory_space<vmem>>, vector<10000x64xf32>
    tpu.vector_store %arg4[%swap3A, %swap3A_33], %add3A_32 {strides = array<i32>} : memref<10000x64xf32, #tpu.memory_space<vmem>>, vector<10000x64xf32>,
    %max3A = arith.constant 0.000000e+00 : f32
    %max3A_35 = vector.broadcast %max3A : f32 to vector<10000x64xf32>
    %max3A_36 = arith.maximumf %add3A_32, %max3A_35 : vector<10000x64xf32>
    %swap3A_37 = arith.constant 0 : index
    %swap3A_38 = arith.constant 0 : index
    %swap3A_39 = vector.load %arg5[%swap3A_37, %swap3A_38] : memref<10000x64xf32, #tpu.memory_space<vmem>>, vector<10000x64xf32>
    tpu.vector_store %arg5[%swap3A_37, %swap3A_38], %max3A_36 {strides = array<i32>} : memref<10000x64xf32, #tpu.memory_space<vmem>>, vector<10000x64xf32>,
    return
  }
}

module attributes {stable_mosaic.version = 14 : i64} {
  func.func @_tc_fin_body(%arg0: memref<10000x64xf32, #tpu.memory_space<vmem>>, %arg1: memref<2x10240x64xf32, #tpu.memory_space<vmem>>, %arg2: memref<2x10240x8xf32, #tpu.memory_space<vmem>>, %arg3: memref<64x128xf32, #tpu.memory_space<vmem>>, %arg4: memref<1x128xf32, #tpu.memory_space<vmem>>, %arg5: memref<10000x128xf32, #tpu.memory_space<vmem>>) attributes {dimension_semantics = [], scalar_prefetch = 0 : i64, scratch_operands = 0 : i64, tpu.core_type = #tpu.core_type<tc>} {
    %get3A = arith.constant 0 : index
    %get3A_0 = arith.constant 0 : index
    %get3A_1 = arith.constant 0 : index
    %get3A_2 = vector.load %arg2[%get3A, %get3A_0, %get3A_1] : memref<2x10240x8xf32, #tpu.memory_space<vmem>>, vector<1x10000x1xf32>
    %get3A_3 = vector.shape_cast %get3A_2 : vector<1x10000x1xf32> to vector<10000x1xf32>
    %get3A_4 = arith.constant 1 : index
    %get3A_5 = arith.constant 0 : index
    %get3A_6 = arith.constant 0 : index
    %get3A_7 = vector.load %arg2[%get3A_4, %get3A_5, %get3A_6] : memref<2x10240x8xf32, #tpu.memory_space<vmem>>, vector<1x10000x1xf32>
    %get3A_8 = vector.shape_cast %get3A_7 : vector<1x10000x1xf32> to vector<10000x1xf32>
    %add3A = arith.addf %get3A_3, %get3A_8 : vector<10000x1xf32>
    %add3A_9 = arith.constant 1.000000e+00 : f32
    %add3A_10 = vector.broadcast %add3A_9 : f32 to vector<10000x1xf32>
    %add3A_11 = arith.addf %add3A, %add3A_10 : vector<10000x1xf32>
    %get3A_12 = arith.constant 0 : index
    %get3A_13 = arith.constant 0 : index
    %get3A_14 = vector.load %arg0[%get3A_12, %get3A_13] : memref<10000x64xf32, #tpu.memory_space<vmem>>, vector<10000x64xf32>
    %get3A_15 = arith.constant 0 : index
    %get3A_16 = arith.constant 0 : index
    %get3A_17 = arith.constant 0 : index
    %get3A_18 = vector.load %arg1[%get3A_15, %get3A_16, %get3A_17] : memref<2x10240x64xf32, #tpu.memory_space<vmem>>, vector<1x10000x64xf32>
    %get3A_19 = vector.shape_cast %get3A_18 : vector<1x10000x64xf32> to vector<10000x64xf32>
    %add3A_20 = arith.addf %get3A_14, %get3A_19 : vector<10000x64xf32>
    %get3A_21 = arith.constant 1 : index
    %get3A_22 = arith.constant 0 : index
    %get3A_23 = arith.constant 0 : index
    %get3A_24 = vector.load %arg1[%get3A_21, %get3A_22, %get3A_23] : memref<2x10240x64xf32, #tpu.memory_space<vmem>>, vector<1x10000x64xf32>
    %get3A_25 = vector.shape_cast %get3A_24 : vector<1x10000x64xf32> to vector<10000x64xf32>
    %add3A_26 = arith.addf %add3A_20, %get3A_25 : vector<10000x64xf32>
    %div3A = vector.broadcast %add3A_11 : vector<10000x1xf32> to vector<10000x64xf32>
    %div3A_27 = arith.divf %add3A_26, %div3A : vector<10000x64xf32>
    %get3A_28 = arith.constant 0 : index
    %get3A_29 = arith.constant 0 : index
    %get3A_30 = vector.load %arg3[%get3A_28, %get3A_29] : memref<64x128xf32, #tpu.memory_space<vmem>>, vector<64x128xf32>
    %dot_general3A = arith.constant dense<0.000000e+00> : vector<10000x128xf32>
    %dot_general3A_31 = tpu.matmul %div3A_27, %get3A_30, %dot_general3A {dimension_numbers = #tpu.dot_dimension_numbers<[1], [0], [0], [1], [0, 0, 1, 1], [], []>, transpose_lhs_hint = false} : vector<10000x64xf32>, vector<64x128xf32>, vector<10000x128xf32> -> vector<10000x128xf32>
    %get3A_32 = arith.constant 0 : index
    %get3A_33 = arith.constant 0 : index
    %get3A_34 = vector.load %arg4[%get3A_32, %get3A_33] : memref<1x128xf32, #tpu.memory_space<vmem>>, vector<1x128xf32>
    %add3A_35 = vector.broadcast %get3A_34 : vector<1x128xf32> to vector<10000x128xf32>
    %add3A_36 = arith.addf %dot_general3A_31, %add3A_35 : vector<10000x128xf32>
    %swap3A = arith.constant 0 : index
    %swap3A_37 = arith.constant 0 : index
    %swap3A_38 = vector.load %arg5[%swap3A, %swap3A_37] : memref<10000x128xf32, #tpu.memory_space<vmem>>, vector<10000x128xf32>
    tpu.vector_store %arg5[%swap3A, %swap3A_37], %add3A_36 {strides = array<i32>} : memref<10000x128xf32, #tpu.memory_space<vmem>>, vector<10000x128xf32>,
    return
  }
}

</mosaic_0001>

<sc_bundles>
// kernel: kernel.11.cloned.1.call-start
scs
__scs_entry_jumppad:
0x0: {  	(pc) =	sbr.rel $0x88, $3  }
0x1: {  	(tag) =	ssettag $0x0;
	lr =	simm.s32 $0x1  }
0x2: {  	[smem:$0x3F9B] =	sst lr;
	_ =	strace $0xD0000000  }
0x3: {  	_ = 	snop  }
0x4: {  	_ = 	snop  }
0x5: {  	_ = 	snop  }
0x6: {  	_ = 	snop  }
0x7: {  	_ = 	snop  }
__scs_overlays_trampoline_lowered:
0x8: {  	[smem:$0x3FAA] =	sst s0  }
0x9: {  	[smem:$0x3FAB] =	sst s1  }
0xa: {  	[smem:$0x3FAC] =	sst s2  }
0xb: {  	[smem:$0x3FAD] =	sst s3  }
0xc: {  	[smem:$0x3FAE] =	sst s4  }
0xd: {  	[smem:$0x3FAF] =	sst s5  }
0xe: {  	[smem:$0x3FB0] =	sst s6  }
0xf: {  	[smem:$0x3FB1] =	sst s7  }
0x10: {  	[smem:$0x3FB2] =	sst s8  }
0x11: {  	[smem:$0x3FB3] =	sst s9;
	s0 =	simm.s32 @!p0 $0x0  }
0x12: {  	s1 =	sld [smem:$0x3F99];
	s0 =	simm.s32 @p0 $0x1  }
0x13: {  	[smem:$0x3FB4] =	sst s0;
	s0 =	simm.s32 @!p1 $0x0  }
0x14: {  	s2 =	sld [smem:$0x3F98];
	s0 =	simm.s32 @p1 $0x1  }
0x15: {  	[smem:$0x3FB5] =	sst s0;
	s0 =	simm.s32 @!p2 $0x0  }
0x16: {  	s3 =	sld [smem:$0x3FDB];
	s0 =	simm.s32 @p2 $0x1  }
0x17: {  	s4 =	simm.s32 $0x1BF5;
	[smem:$0x3FB7] =	sst s0  }
0x18: {  	s0 =	sld [smem:$0x3F9A];
	_ =	swait.ge [sflag:s4], $0x0  }
0x19: {  	s7 =	sld [smem:$0x3F9B]  }
0x1a: {  	s8 =	sadd.s32 $0xFFFFE003, lr  }
0x1b: {  	s9 =	sadd.s32 $0xFFFFFEF7, lr;
	s5 =	simm.s32 $0xFFFFFFFF;
	p2 =	slt.u32 s8, $0xFFFFF086  }
0x1c: {  	p1 =	slt.u32 s9, $0xF7A;
	s5 =	simm.s32 @!p2 $0x0  }
0x1d: {  	s5 =	simm.s32 @p1 $0x1;
	p0 =	seq.s32 s7, s2  }
0x1e: {  	s7 =	smul.u32 @!p0 $0xF7A, s2;
	p2 =	seq.s32 @!p0 s5, $0x0  }
0x1f: {  	s9 =	smul.u32 $0xF7A, s1;
	s8 =	simm.s32 @!p0 $0x1BF5;
	p2 =	por !p2, p0  }
0x20: {  	[sflag:s8] =	ssyncset.s32 @!p0 $0xFFFFF086;
	s6 =	sadd.s32 @!p0 s3, s7;
	s7 =	simm.s32 @!p0 $0x108  }
0x21: {  	s3 =	sadd.s32 s3, s9;
	s6 =	sadd.s32 @!p0 $0x88, s6;
	s7 =	simm.s32 @p2 $0x1082  }
0x22: {  	[simem:s7], [sflag:s8] =	dma.local @!p0 [hbm:s6], $0xF7A  }
0x23: {  	s9 =	sor.u32 $0xD0000000, s2;
	s6 =	simm.s32 $0x108;
	_ =	swait.ge @!p0 [sflag:s8], $0x0  }
0x24: {  	s3 =	sadd.s32 $0x88, s3;
	s6 =	simm.s32 @!p1 $0x1082;
	[sflag:s4] =	ssyncset.s32 $0xFFFFF086  }
0x25: {  	[simem:s6], [sflag:s4] =	dma.local [hbm:s3], $0xF7A  }
0x26: {  	[smem:$0x3F9B] =	sst s1;
	(tag) =	ssettag s2;
	_ =	strace s9  }
0x27: {  	s1 =	sld [smem:$0x3FAB]  }
0x28: {  	s2 =	sld [smem:$0x3FAC]  }
0x29: {  	s4 =	sld [smem:$0x3FAE]  }
0x2a: {  	p0 =	seq.s32 s5, $0x0;
	s5 =	sld [smem:$0x3FAF]  }
0x2b: {  	s6 =	sld [smem:$0x3FB0]  }
0x2c: {  	s7 =	sld [smem:$0x3FB1]  }
0x2d: {  	s3 =	simm.s32 $0x108;
	s8 =	sld [smem:$0x3FB2]  }
0x2e: {  	s3 =	simm.s32 @!p0 $0x1082;
	s9 =	sld [smem:$0x3FB3]  }
0x2f: {  	lr =	sadd.s32 s0, s3;
	s0 =	sld [smem:$0x3FAA]  }
0x30: {  	s3 =	sld [smem:$0x3FAD]  }
0x31: {  	[smem:$0x3FB6] =	sst s10  }
0x32: {  	s10 =	sld [smem:$0x3FB4];
	_ =	sdelay $0x3  }
0x33: {  	p0 =	seq.s32 s10, $0x1;
	s10 =	sld [smem:$0x3FB6];
	_ =	sdelay $0x3  }
0x34: {  	[smem:$0x3FB6] =	sst s10  }
0x35: {  	s10 =	sld [smem:$0x3FB5];
	_ =	sdelay $0x3  }
0x36: {  	p1 =	seq.s32 s10, $0x1;
	s10 =	sld [smem:$0x3FB6];
	_ =	sdelay $0x3  }
0x37: {  	[smem:$0x3FB6] =	sst s10  }
0x38: {  	s10 =	sld [smem:$0x3FB7]  }
0x39: {  	_ = 	snop;
	(pc) =	sbr.ind lr, $3  }
0x3a: {  	_ = 	snop  }
0x3b: {  	_ = 	snop  }
0x3c: {  	p2 =	seq.s32 s10, $0x1;
	s10 =	sld [smem:$0x3FB6]  }
0x3d: {  	_ =	shalt  }
0x3e: {  	_ =	shalt  }
0x3f: {  	_ =	shalt  }
0x40: {  	_ =	shalt  }
0x41: {  	_ =	shalt  }
0x42: {  	_ =	shalt  }
0x43: {  	_ =	shalt  }
0x44: {  	_ =	shalt  }
0x45: {  	_ =	shalt  }
0x46: {  	_ =	shalt  }
0x47: {  	_ =	shalt  }
0x48: {  	_ =	shalt  }
0x49: {  	_ =	shalt  }
0x4a: {  	_ =	shalt  }
0x4b: {  	_ =	shalt  }
0x4c: {  	_ =	shalt  }
0x4d: {  	_ =	shalt  }
0x4e: {  	_ =	shalt  }
0x4f: {  	_ =	shalt  }
0x50: {  	_ =	shalt  }
0x51: {  	_ =	shalt  }
0x52: {  	_ =	shalt  }
0x53: {  	_ =	shalt  }
0x54: {  	_ =	shalt  }
0x55: {  	_ =	shalt  }
0x56: {  	_ =	shalt  }
0x57: {  	_ =	shalt  }
0x58: {  	_ =	shalt  }
0x59: {  	_ =	shalt  }
0x5a: {  	_ =	shalt  }
0x5b: {  	_ =	shalt  }
0x5c: {  	_ =	shalt  }
0x5d: {  	_ =	shalt  }
0x5e: {  	_ =	shalt  }
0x5f: {  	_ =	shalt  }
0x60: {  	_ =	shalt  }
0x61: {  	_ =	shalt  }
0x62: {  	_ =	shalt  }
0x63: {  	_ =	shalt  }
0x64: {  	_ =	shalt  }
0x65: {  	_ =	shalt  }
0x66: {  	_ =	shalt  }
0x67: {  	_ =	shalt  }
0x68: {  	_ =	shalt  }
0x69: {  	_ =	shalt  }
0x6a: {  	_ =	shalt  }
0x6b: {  	_ =	shalt  }
0x6c: {  	_ =	shalt  }
0x6d: {  	_ =	shalt  }
0x6e: {  	_ =	shalt  }
0x6f: {  	_ =	shalt  }
0x70: {  	_ =	shalt  }
0x71: {  	_ =	shalt  }
0x72: {  	_ =	shalt  }
0x73: {  	_ =	shalt  }
0x74: {  	_ =	shalt  }
0x75: {  	_ =	shalt  }
0x76: {  	_ =	shalt  }
0x77: {  	_ =	shalt  }
0x78: {  	_ =	shalt  }
0x79: {  	_ =	shalt  }
0x7a: {  	_ =	shalt  }
0x7b: {  	_ =	shalt  }
0x7c: {  	_ =	shalt  }
0x7d: {  	_ =	shalt  }
0x7e: {  	_ =	shalt  }
0x7f: {  	_ =	shalt  }
0x80: {  	_ =	shalt  }
0x81: {  	_ =	shalt  }
0x82: {  	_ =	shalt  }
0x83: {  	_ =	shalt  }
0x84: {  	_ =	shalt  }
0x85: {  	_ =	shalt  }
0x86: {  	_ =	shalt  }
0x87: {  	_ =	shalt  }
.Lfunc_end0:
.L_simem_size_0:
called_computation.1_lowered:
.L_overlay_start_0:
0x88: {  	s2 =	sld [smem:$0x3FD9]  }
0x89: {  	s3 =	sld [smem:$0x3FFE];
	_ =	sdelay $0x1  }
0x8a: {  	s1 =	srdreg.scid  }
0x8b: {  	s0 =	sand.u32 $0x1, s1  }
0x8c: {  	s14 =	sshll.u32 s0, $0xA;
	s2 =	sadd.s32 s3, s2  }
0x8d: {  	s2 =	sadd.s32 s2, s14  }
0x8e: {  	[smem:$0x3FC2] =	sst s2  }
0x8f: {  	_ = 	snop  }
0x90: {  	s2 =	sld [smem:$0x3FD0];
	_ =	sdelay $0x2  }
0x91: {  	s15 =	simm.s32 $0xB;
	s4 =	simm.s32 $0x10  }
0x92: {  	[smem:s4], [sflag:s15] =	dma.local [hbm:s2], $0x1  }
0x93: {  	_ =	swait.eq [sflag:s15], $0x1  }
0x94: {  	[sflag:s15] =	ssyncset.done $0x0  }
0x95: {  	s16 =	sld [smem:$0x10];
	[sflag:s15] =	ssyncadd.s32 $0xFFFFFFFF  }
0x96: {  	s17 =	sld [smem:$0x11];
	(tm) =	ssettm $0x1  }
0x97: {  	s18 =	sld [smem:$0x3FFB];
	_ =	sdelay $0x3  }
0x98: {  	_ =	strace s18  }
0x99: {  	s4 =	sld [smem:$0x3FFC];
	_ =	sdelay $0x3  }
0x9a: {  	_ =	strace s4  }
0x9b: {  	s4 =	sld [smem:$0x3FFD];
	_ =	sdelay $0x3  }
0x9c: {  	_ =	strace s4  }
0x9d: {  	_ =	strace $0x8FFFFFFF  }
0x9e: {  	s19 =	sld [smem:$0x3FDB];
	_ =	sdelay $0x1  }
0x9f: {  	s5 =	simm.s32 $_scs_section_size  }
0xa0: {  	s6 =	simm.s32 $_size__tile_overlayer_lowered;
	s7 =	simm.s32 $_tile_overlayer_lowered  }
0xa1: {  	s22 =	simm.s32 $0x1BFF;
	s21 =	sshll.u32 s7, $0x1;
	s4 =	sadd.s32 s5, s19  }
0xa2: {  	s8 =	simm.s32 $0x0;
	s20 =	sshll.u32 s6, $0x1;
	s6 =	sadd.s32 s21, s4  }
0xa3: {  	[timem:s8], [sflag:s22] =	dma.local [hbm:s6], s20  }
0xa4: {  	_ =	swait.ge [sflag:s22], s20  }
0xa5: {  	s5 =	ssub.s32 $0x0, s20;
	[sflag:s22] =	ssyncset.done $0x0  }
0xa6: {  	[sflag:s22] =	ssyncadd.s32 s5;
	_ =	sdelay $0x1  }
0xa7: {  	s23 =	simm.s32 $0x1B8B  }
0xa8: {  	_ =	swait.ge [sflag:s23], $0x1  }
0xa9: {  	[sflag:s23] =	ssyncset.done $0x0  }
0xaa: {  	s25 =	simm.s32 $0x1B8E;
	s24 =	sld [smem:$0x3FFE];
	[sflag:s23] =	ssyncadd.s32 $0xFFFFFFFF  }
0xab: {  	s26 =	simm.s32 $execute0_lowered;
	[smem:$0x3FD2] =	sst s25  }
0xac: {  	s6 =	sshll.u32 s26, $0x1;
	_ =	strace $0x80000046;
	[dreg:$0x1] =	wrdreg $0xFFFFFFFF  }
0xad: {  	s28 =	simm.s32 $_size_execute0_lowered;
	s4 =	sadd.s32 s4, s6;
	[dreg:$0x0] =	wrdreg $0x0  }
0xae: {  	s6 =	sshll.u32 s28, $0x1;
	[dreg:$0x2] =	wrdreg s4  }
0xaf: {  	[dreg:$0x3] =	wrdreg s6  }
0xb0: {  	[dreg:$0x4] =	wrdreg $0xC0  }
0xb1: {  	_ =	task [dreg:s8], $0x5FFFF  }
0xb2: {  	[dreg:$0x1] =	wrdreg $0xFFFFFFFF  }
0xb3: {  	[dreg:$0x0] =	wrdreg $0x60  }
0xb4: {  	[dreg:$0x2] =	wrdreg s16  }
0xb5: {  	[dreg:$0x3] =	wrdreg s24  }
0xb6: {  	[dreg:$0x4] =	wrdreg s17  }
0xb7: {  	[dreg:$0x5] =	wrdreg $0x152200  }
0xb8: {  	[dreg:$0x6] =	wrdreg $0xA  }
0xb9: {  	_ =	task.clear_ibuf [dreg:s8], $0x7FFFF;
	_ =	strace $0x90000046  }
0xba: {  	s29 =	simm.s32 $0xA;
	_ =	strace $0x80000048  }
0xbb: {  	_ =	swait.ge [sflag:s29], $0x1  }
0xbc: {  	[sflag:s29] =	ssyncadd.s32 $0xFFFFFFFF  }
0xbd: {  	_ =	strace $0x90000048  }
0xbe: {  	_ =	sfence  }
0xbf: {  	s30 =	sld [smem:$0x0];
	_ =	sdelay $0x2  }
0xc0: {  	s31 =	sshll.u32 s1, $0xD;
	s1 =	sshrl.u32 s1, $0x2  }
0xc1: {  	s3 =	sand.u32 $0x4000, s31;
	s1 =	sadd.s32 s1, s30  }
0xc2: {  	s0 =	sor.u32 s3, s0;
	s1 =	sshll.u32 s1, $0x11  }
0xc3: {  	s0 =	sor.u32 s1, s0  }
0xc4: {  	s0 =	sadd.s32 $0x8F2B, s0  }
0xc5: {  	[sflag:s0] =	ssyncadd.remote.s32 $0x1  }
0xc6: {  	_ =	sfence.sel $0xFFFF  }
0xc7: {  	[dreg:$0x0] =	wrdreg $0xFFFFFFFF;
	(pc) =	sbr.abs _section_cstart, $3  }
0xc8: {  	[dreg:$0x1] =	wrdreg $0xFFFFFFFF  }
0xc9: {  	_ =	task.clear_ibuf [dreg:s8], $0x2FFFF;
	_ =	strace $0x9FFFFFFF  }
0xca: {  	(tm) =	ssettm $0x7FFFFFFF  }
0xcb: {  	_ =	shalt  }
tec
execute0_lowered:
.L_overlay_start_1:
0x0: {  	(tag) =	ssettag $0x1  }
0x1: {  	s0 =	rddreg [dreg:$0x0]  }
0x2: {  	s1 =	rddreg [dreg:$0x1]  }
0x3: {  	s2 =	rddreg [dreg:$0x2];
	s4 =	srdreg.scid  }
0x4: {  	s3 =	rddreg [dreg:$0x3];
	s8 =	stileid.u32  }
0x5: {  	s11 =	simm.s32 $0xB220;
	s12 =	simm.s32 $0x6;
	s14 =	simm.s32 $0x50  }
0x6: {  	s15 =	simm.s32 $0x4E20;
	s16 =	simm.s32 $0x6220;
	s18 =	simm.s32 $0x7620  }
0x7: {  	s20 =	simm.s32 $0x8A20;
	s22 =	simm.s32 $0x9E20;
	s28 =	simm.s32 $0x5  }
0x8: {  	s29 =	simm.s32 $0x4C90;
	s30 =	simm.s32 $0x4CE0;
	s31 =	simm.s32 $0x4D30  }
0x9: {  	s13 =	simm.s32 $0x0;
	s5 =	sand.u32 $0x1, s4;
	s7 =	smul.u32 $0xA000, s8  }
0xa: {  	s4 =	simm.s32 $0x0;
	s6 =	sshll.u32 s5, $0x4;
	s23 =	smul.u32 $0xA0000, s5  }
0xb: {  	[smem:$0x7FF] =	sst s4;
	s5 =	ssub.s32 $0x2, s5;
	s6 =	sor.u32 s8, s6  }
0xc: {  	_ =	strace $0x80000047;
	s25 =	sshrl.u32 s5, $0x1;
	s26 =	sshrl.u32 s7, $0x3  }
0xd: {  	s6 =	smul.u32 $0x4E2, s6;
	s8 =	sadd.s32 s7, s23;
	s10 =	ssub.s32 s5, s25  }
0xe: {  	s5 =	sadd.s32 s2, s26;
	s23 =	simm.s32 $0x1;
	s25 =	simm.s32 $0x3  }
0xf: {  	s26 =	simm.s32 $0x4;
	s2 =	simm.s32 $0x4DD0;
	s24 =	sshrl.u32 s8, $0x3  }
0x10: {  	s10 =	smax.u32 s10, $0x1;
	s9 =	sadd.s32 s6, s1;
	s1 =	sadd.s32 s24, s1  }
0x11: {  	s6 =	sadd.s32 s7, s3;
	s24 =	simm.s32 $0x2;
	s7 =	sadd.s32 $0xAC00, s9  }
0x12: {  	s8 =	sadd.s32 $0xE00, s9;
	s9 =	sadd.s32 $0x14A00, s1;
	s1 =	simm.s32 $0x4D80  }
.LBB2_1:
0x13: {  	[tilespmem:s11], [sflag:$0x6] =	stream.linear.gather [hbm4b:s5+s4], $0xA000, $0x38;
	[tilespmem:$0x1F220] =	vst v63  }
0x14: {  	_ =	swait.ge [sflag:s12], $0xA000  }
0x15: {  	[sflag:s12] =	ssyncset.done $0x0  }
0x16: {  	[sflag:s12] =	ssyncadd.s32 $0xFFFF6000  }
0x17: {  	[spmem:s6] =	stream.linear.scatter [tilespmem:s11], [sflag:$0x6], $0xA000, $0x38;
	[tilespmem:$0x1F220] =	vst v63  }
0x18: {  	_ =	swait.ge [sflag:s12], $0xA000  }
0x19: {  	[sflag:s12] =	ssyncset.done $0x0  }
0x1a: {  	[sflag:s12] =	ssyncadd.s32 $0xFFFF6000  }
0x1b: {  	[tilespmem:s4], [sflag:$0x6] =	stream.linear.gather [hbm4b:s7+s4], $0x2710, $0x38;
	[tilespmem:$0x1F220] =	vst v63  }
0x1c: {  	_ =	swait.ge [sflag:s12], $0x2710  }
0x1d: {  	[sflag:s12] =	ssyncset.done $0x0  }
0x1e: {  	s17 =	simm.s32 $0x2710;
	[sflag:s12] =	ssyncadd.s32 $0xFFFFD8F0  }
0x1f: {  	[tilespmem:s17], [sflag:$0x6] =	stream.linear.gather [hbm4b:s8+s4], $0x2710, $0x38;
	[tilespmem:$0x1F220] =	vst v63  }
0x20: {  	_ =	swait.ge [sflag:s12], $0x2710  }
0x21: {  	[sflag:s12] =	ssyncset.done $0x0  }
0x22: {  	[sflag:s12] =	ssyncadd.s32 $0xFFFFD8F0  }
0x23: {  	[bflag:$0x0] =	sbarrier.arrive $0xFFFF  }
0x24: {  	[tilespmem:s15], [sflag:$0x1] =	stream.indirect.gather [hbm4b:s0+s14], $0x40, s4, s14, $0xb8;
	[tilespmem:$0x1F220] =	vst v63  }
0x25: {  	_ = 	snop  }
0x26: {  	[tilespmem:s16], [sflag:$0x2] =	stream.indirect.gather [hbm4b:s0+s14], $0x40, s14, s14, $0xb8;
	[tilespmem:$0x1F220] =	vst v63  }
0x27: {  	s19 =	simm.s32 $0xA0  }
0x28: {  	[tilespmem:s18], [sflag:$0x3] =	stream.indirect.gather [hbm4b:s0+s14], $0x40, s19, s14, $0xb8;
	[tilespmem:$0x1F220] =	vst v63  }
0x29: {  	s21 =	simm.s32 $0xF0  }
0x2a: {  	[tilespmem:s20], [sflag:$0x4] =	stream.indirect.gather [hbm4b:s0+s14], $0x40, s21, s14, $0xb8;
	[tilespmem:$0x1F220] =	vst v63  }
0x2b: {  	s19 =	simm.s32 $0x140  }
0x2c: {  	[tilespmem:s22], [sflag:$0x5] =	stream.indirect.gather [hbm4b:s0+s14], $0x40, s19, s14, $0xb8;
	[tilespmem:$0x1F220] =	vst v63  }
0x2d: {  	_ =	swait.ge [sflag:s23], $0x1400  }
0x2e: {  	[sflag:s23] =	ssyncset.done $0x0  }
0x2f: {  	s21 =	simm.s32 $0x2710;
	[sflag:s23] =	ssyncadd.s32 $0xFFFFEC00  }
0x30: {  	[spmem:s3] =	stream.indirect.scatter.add.f32 [tilespmem:s15], [sflag:$0x6], $0x40, s21, s14, $0xb8;
	[tilespmem:$0x1F220] =	vst v63  }
0x31: {  	_ =	swait.ge [sflag:s12], $0x1400  }
0x32: {  	[sflag:s12] =	ssyncset.done $0x0  }
0x33: {  	s19 =	simm.s32 $0x190;
	[sflag:s12] =	ssyncadd.s32 $0xFFFFEC00  }
0x34: {  	[tilespmem:s15], [sflag:$0x1] =	stream.indirect.gather [hbm4b:s0+s14], $0x40, s19, s14, $0xb8;
	[tilespmem:$0x1F220] =	vst v63  }
0x35: {  	_ =	swait.ge [sflag:s24], $0x1400  }
0x36: {  	[sflag:s24] =	ssyncset.done $0x0  }
0x37: {  	s21 =	simm.s32 $0x2760;
	[sflag:s24] =	ssyncadd.s32 $0xFFFFEC00  }
0x38: {  	[spmem:s3] =	stream.indirect.scatter.add.f32 [tilespmem:s16], [sflag:$0x6], $0x40, s21, s14, $0xb8;
	[tilespmem:$0x1F220] =	vst v63  }
0x39: {  	_ =	swait.ge [sflag:s12], $0x1400  }
0x3a: {  	[sflag:s12] =	ssyncset.done $0x0  }
0x3b: {  	s19 =	simm.s32 $0x1E0;
	[sflag:s12] =	ssyncadd.s32 $0xFFFFEC00  }
0x3c: {  	[tilespmem:s16], [sflag:$0x2] =	stream.indirect.gather [hbm4b:s0+s14], $0x40, s19, s14, $0xb8;
	[tilespmem:$0x1F220] =	vst v63  }
0x3d: {  	_ =	swait.ge [sflag:s25], $0x1400  }
0x3e: {  	[sflag:s25] =	ssyncset.done $0x0  }
0x3f: {  	s21 =	simm.s32 $0x27B0;
	[sflag:s25] =	ssyncadd.s32 $0xFFFFEC00  }
0x40: {  	[spmem:s3] =	stream.indirect.scatter.add.f32 [tilespmem:s18], [sflag:$0x6], $0x40, s21, s14, $0xb8;
	[tilespmem:$0x1F220] =	vst v63  }
0x41: {  	_ =	swait.ge [sflag:s12], $0x1400  }
0x42: {  	[sflag:s12] =	ssyncset.done $0x0  }
0x43: {  	s19 =	simm.s32 $0x230;
	[sflag:s12] =	ssyncadd.s32 $0xFFFFEC00  }
0x44: {  	[tilespmem:s18], [sflag:$0x3] =	stream.indirect.gather [hbm4b:s0+s14], $0x40, s19, s14, $0xb8;
	[tilespmem:$0x1F220] =	vst v63  }
0x45: {  	_ =	swait.ge [sflag:s26], $0x1400  }
0x46: {  	[sflag:s26] =	ssyncset.done $0x0  }
0x47: {  	s21 =	simm.s32 $0x2800;
	[sflag:s26] =	ssyncadd.s32 $0xFFFFEC00  }
0x48: {  	[spmem:s3] =	stream.indirect.scatter.add.f32 [tilespmem:s20], [sflag:$0x6], $0x40, s21, s14, $0xb8;
	[tilespmem:$0x1F220] =	vst v63  }
0x49: {  	_ =	swait.ge [sflag:s12], $0x1400  }
0x4a: {  	[sflag:s12] =	ssyncset.done $0x0  }
0x4b: {  	s19 =	simm.s32 $0x280;
	[sflag:s12] =	ssyncadd.s32 $0xFFFFEC00  }
0x4c: {  	[tilespmem:s20], [sflag:$0x4] =	stream.indirect.gather [hbm4b:s0+s14], $0x40, s19, s14, $0xb8;
	[tilespmem:$0x1F220] =	vst v63  }
0x4d: {  	_ =	swait.ge [sflag:s28], $0x1400  }
0x4e: {  	[sflag:s28] =	ssyncset.done $0x0  }
0x4f: {  	s21 =	simm.s32 $0x2850;
	[sflag:s28] =	ssyncadd.s32 $0xFFFFEC00  }
0x50: {  	[spmem:s3] =	stream.indirect.scatter.add.f32 [tilespmem:s22], [sflag:$0x6], $0x40, s21, s14, $0xb8;
	[tilespmem:$0x1F220] =	vst v63  }
0x51: {  	_ =	swait.ge [sflag:s12], $0x1400  }
0x52: {  	[sflag:s12] =	ssyncset.done $0x0  }
0x53: {  	s17 =	simm.s32 $0x640;
	s19 =	simm.s32 $0x2D0;
	[sflag:s12] =	ssyncadd.s32 $0xFFFFEC00  }
.LBB2_2:
0x54: {  	[tilespmem:s22], [sflag:$0x5] =	stream.indirect.gather [hbm4b:s0+s14], $0x40, s19, s14, $0xb8;
	[tilespmem:$0x1F220] =	vst v63  }
0x55: {  	s19 =	smov.u32 s17  }
0x56: {  	p0 =	sne.s32 s17, $0x8FC0;
	s17 =	sadd.s32 $0x640, s17;
	_ =	swait.ge [sflag:s23], $0x1400  }
0x57: {  	s19 =	sshra.s32 s19, $0x2;
	[sflag:s23] =	ssyncset.done $0x0  }
0x58: {  	s21 =	sadd.s32 $0x2710, s19;
	[sflag:s23] =	ssyncadd.s32 $0xFFFFEC00  }
0x59: {  	[spmem:s3] =	stream.indirect.scatter.add.f32 [tilespmem:s15], [sflag:$0x6], $0x40, s21, s14, $0xb8;
	[tilespmem:$0x1F220] =	vst v63  }
0x5a: {  	_ =	swait.ge [sflag:s12], $0x1400  }
0x5b: {  	[sflag:s12] =	ssyncset.done $0x0  }
0x5c: {  	s21 =	sadd.s32 $0x190, s19;
	[sflag:s12] =	ssyncadd.s32 $0xFFFFEC00  }
0x5d: {  	[tilespmem:s15], [sflag:$0x1] =	stream.indirect.gather [hbm4b:s0+s14], $0x40, s21, s14, $0xb8;
	[tilespmem:$0x1F220] =	vst v63  }
0x5e: {  	_ =	swait.ge [sflag:s24], $0x1400  }
0x5f: {  	[sflag:s24] =	ssyncset.done $0x0  }
0x60: {  	s21 =	sadd.s32 $0x2760, s19;
	[sflag:s24] =	ssyncadd.s32 $0xFFFFEC00  }
0x61: {  	[spmem:s3] =	stream.indirect.scatter.add.f32 [tilespmem:s16], [sflag:$0x6], $0x40, s21, s14, $0xb8;
	[tilespmem:$0x1F220] =	vst v63  }
0x62: {  	_ =	swait.ge [sflag:s12], $0x1400  }
0x63: {  	[sflag:s12] =	ssyncset.done $0x0  }
0x64: {  	s21 =	sadd.s32 $0x1E0, s19;
	[sflag:s12] =	ssyncadd.s32 $0xFFFFEC00  }
0x65: {  	[tilespmem:s16], [sflag:$0x2] =	stream.indirect.gather [hbm4b:s0+s14], $0x40, s21, s14, $0xb8;
	[tilespmem:$0x1F220] =	vst v63  }
0x66: {  	_ =	swait.ge [sflag:s25], $0x1400  }
0x67: {  	[sflag:s25] =	ssyncset.done $0x0  }
0x68: {  	s21 =	sadd.s32 $0x27B0, s19;
	[sflag:s25] =	ssyncadd.s32 $0xFFFFEC00  }
0x69: {  	[spmem:s3] =	stream.indirect.scatter.add.f32 [tilespmem:s18], [sflag:$0x6], $0x40, s21, s14, $0xb8;
	[tilespmem:$0x1F220] =	vst v63  }
0x6a: {  	_ =	swait.ge [sflag:s12], $0x1400  }
0x6b: {  	[sflag:s12] =	ssyncset.done $0x0  }
0x6c: {  	s21 =	sadd.s32 $0x230, s19;
	[sflag:s12] =	ssyncadd.s32 $0xFFFFEC00  }
0x6d: {  	[tilespmem:s18], [sflag:$0x3] =	stream.indirect.gather [hbm4b:s0+s14], $0x40, s21, s14, $0xb8;
	[tilespmem:$0x1F220] =	vst v63  }
0x6e: {  	_ =	swait.ge [sflag:s26], $0x1400  }
0x6f: {  	[sflag:s26] =	ssyncset.done $0x0  }
0x70: {  	s21 =	sadd.s32 $0x2800, s19;
	[sflag:s26] =	ssyncadd.s32 $0xFFFFEC00  }
0x71: {  	[spmem:s3] =	stream.indirect.scatter.add.f32 [tilespmem:s20], [sflag:$0x6], $0x40, s21, s14, $0xb8;
	[tilespmem:$0x1F220] =	vst v63  }
0x72: {  	_ =	swait.ge [sflag:s12], $0x1400  }
0x73: {  	[sflag:s12] =	ssyncset.done $0x0  }
0x74: {  	s21 =	sadd.s32 $0x280, s19;
	[sflag:s12] =	ssyncadd.s32 $0xFFFFEC00  }
0x75: {  	[tilespmem:s20], [sflag:$0x4] =	stream.indirect.gather [hbm4b:s0+s14], $0x40, s21, s14, $0xb8;
	[tilespmem:$0x1F220] =	vst v63  }
0x76: {  	_ =	swait.ge [sflag:s28], $0x1400  }
0x77: {  	[sflag:s28] =	ssyncset.done $0x0  }
.Ltmp0:
0x78: {  	s21 =	sadd.s32 $0x2850, s19;
	[sflag:s28] =	ssyncadd.s32 $0xFFFFEC00;
	(pc) =	sbr.rel @p0 .LBB2_2-.Ltmp0, $4  }
0x79: {  	[spmem:s3] =	stream.indirect.scatter.add.f32 [tilespmem:s22], [sflag:$0x6], $0x40, s21, s14, $0xb8;
	[tilespmem:$0x1F220] =	vst v63  }
0x7a: {  	_ =	swait.ge [sflag:s12], $0x1400  }
0x7b: {  	[sflag:s12] =	ssyncset.done $0x0  }
0x7c: {  	s19 =	sadd.s32 $0x2D0, s19;
	[sflag:s12] =	ssyncadd.s32 $0xFFFFEC00  }
0x7d: {  	[tilespmem:s22], [sflag:$0x5] =	stream.indirect.gather [hbm4b:s0+s14], $0x40, s19, s14, $0xb8;
	[tilespmem:$0x1F220] =	vst v63  }
0x7e: {  	_ =	swait.ge [sflag:s23], $0x1400  }
0x7f: {  	[sflag:s23] =	ssyncset.done $0x0  }
0x80: {  	[sflag:s23] =	ssyncadd.s32 $0xFFFFEC00  }
0x81: {  	[spmem:s3] =	stream.indirect.scatter.add.f32 [tilespmem:s15], [sflag:$0x6], $0x40, s29, s14, $0xb8;
	[tilespmem:$0x1F220] =	vst v63  }
0x82: {  	_ =	swait.ge [sflag:s12], $0x1400  }
0x83: {  	[sflag:s12] =	ssyncset.done $0x0  }
0x84: {  	[sflag:s12] =	ssyncadd.s32 $0xFFFFEC00  }
0x85: {  	_ =	swait.ge [sflag:s24], $0x1400  }
0x86: {  	[sflag:s24] =	ssyncset.done $0x0  }
0x87: {  	[sflag:s24] =	ssyncadd.s32 $0xFFFFEC00  }
0x88: {  	[spmem:s3] =	stream.indirect.scatter.add.f32 [tilespmem:s16], [sflag:$0x6], $0x40, s30, s14, $0xb8;
	[tilespmem:$0x1F220] =	vst v63  }
0x89: {  	_ =	swait.ge [sflag:s12], $0x1400  }
0x8a: {  	[sflag:s12] =	ssyncset.done $0x0  }
0x8b: {  	[sflag:s12] =	ssyncadd.s32 $0xFFFFEC00  }
0x8c: {  	_ =	swait.ge [sflag:s25], $0x1400  }
0x8d: {  	[sflag:s25] =	ssyncset.done $0x0  }
0x8e: {  	[sflag:s25] =	ssyncadd.s32 $0xFFFFEC00  }
0x8f: {  	[spmem:s3] =	stream.indirect.scatter.add.f32 [tilespmem:s18], [sflag:$0x6], $0x40, s31, s14, $0xb8;
	[tilespmem:$0x1F220] =	vst v63  }
0x90: {  	_ =	swait.ge [sflag:s12], $0x1400  }
0x91: {  	[sflag:s12] =	ssyncset.done $0x0  }
0x92: {  	[sflag:s12] =	ssyncadd.s32 $0xFFFFEC00  }
0x93: {  	_ =	swait.ge [sflag:s26], $0x1400  }
0x94: {  	[sflag:s26] =	ssyncset.done $0x0  }
0x95: {  	[sflag:s26] =	ssyncadd.s32 $0xFFFFEC00  }
0x96: {  	[spmem:s3] =	stream.indirect.scatter.add.f32 [tilespmem:s20], [sflag:$0x6], $0x40, s1, s14, $0xb8;
	[tilespmem:$0x1F220] =	vst v63  }
0x97: {  	_ =	swait.ge [sflag:s12], $0x1400  }
0x98: {  	[sflag:s12] =	ssyncset.done $0x0  }
0x99: {  	[sflag:s12] =	ssyncadd.s32 $0xFFFFEC00  }
0x9a: {  	_ =	swait.ge [sflag:s28], $0x1400  }
0x9b: {  	[sflag:s28] =	ssyncset.done $0x0  }
0x9c: {  	[sflag:s28] =	ssyncadd.s32 $0xFFFFEC00  }
0x9d: {  	[spmem:s3] =	stream.indirect.scatter.add.f32 [tilespmem:s22], [sflag:$0x6], $0x40, s2, s14, $0xb8;
	[tilespmem:$0x1F220] =	vst v63  }
0x9e: {  	_ =	swait.ge [sflag:s12], $0x1400  }
0x9f: {  	[sflag:s12] =	ssyncset.done $0x0  }
0xa0: {  	[sflag:s12] =	ssyncadd.s32 $0xFFFFEC00  }
0xa1: {  	[bflag:$0x0] =	sbarrier.arrive $0xFFFF  }
0xa2: {  	[tilespmem:s11], [sflag:$0x6] =	stream.linear.gather [spmem:s6], $0xA000, $0x38;
	[tilespmem:$0x1F220] =	vst v63  }
0xa3: {  	s13 =	sadd.s32 $0x1, s13;
	_ =	swait.ge [sflag:s12], $0xA000  }
0xa4: {  	p0 =	sne.s32 s13, s10;
	[sflag:s12] =	ssyncset.done $0x0  }
.Ltmp1:
0xa5: {  	[sflag:s12] =	ssyncadd.s32 $0xFFFF6000;
	(pc) =	sbr.rel @p0 .LBB2_1-.Ltmp1, $4  }
0xa6: {  	[hbm4b:s9+s4] =	stream.linear.scatter [tilespmem:s11], [sflag:$0x6], $0xA000, $0x38;
	[tilespmem:$0x1F220] =	vst v63  }
0xa7: {  	_ =	swait.ge [sflag:s12], $0xA000  }
0xa8: {  	[sflag:s12] =	ssyncset.done $0x0  }
0xa9: {  	[sflag:s12] =	ssyncadd.s32 $0xFFFF6000  }
0xaa: {  	_ =	sfence.sel $0x180000  }
0xab: {  	[bflag:$0x0] =	sbarrier.arrive $0xFFFF  }
0xac: {  	_ =	strace $0x90000047  }
0xad: {  	s0 =	stileid.u32;
	[bflag:$0x2] =	sbarrier.arrive $0xFFFF  }
0xae: {  	p0 =	sne.s32 s0, $0x0;
	s0 =	rddreg [dreg:$0x4]  }
0xaf: {  	s0 =	sadd.s32 @!p0 $0x100000, s0  }
0xb0: {  	[sflag:s0] =	ssyncadd.tile.s32 @!p0 $0x1;
	_ =	shalt  }
.Lfunc_end2:
_tile_overlayer_lowered:
.L_overlay_start_2:
0xb1: {  	(tag) =	ssettag $0x2  }
0xb2: {  	s0 =	rddreg [dreg:$0x0];
	s2 =	stileid.u32  }
0xb3: {  	s1 =	rddreg [dreg:$0x1];
	p0 =	sne.s32 s2, $0x0  }
0xb4: {  	s3 =	rddreg [dreg:$0x2];
	[bflag:$0x3] =	sbarrier.arrive $0xFFFF;
	s2 =	simm.s32 @!p0 $0x1C06  }
0xb5: {  	[timem:s3], [sflag:s2] =	dma.local @!p0 [hbm:s0], s1  }
0xb6: {  	s0 =	simm.s32 @!p0 $0x6  }
0xb7: {  	_ =	swait.ge @!p0 [sflag:s0], s1  }
0xb8: {  	s1 =	ssub.s32 @!p0 $0x0, s1;
	[sflag:s0] =	ssyncset.done @!p0 $0x0  }
0xb9: {  	[sflag:s0] =	ssyncadd.s32 @!p0 s1  }
0xba: {  	[bflag:$0x3] =	sbarrier.arrive $0xFFFF  }
0xbb: {  	_ =	shalt  }

// kernel: kernel.14.cloned.1.call-start
scs
__scs_entry_jumppad:
0x0: {  	(pc) =	sbr.rel $0x88, $3  }
0x1: {  	(tag) =	ssettag $0x0;
	lr =	simm.s32 $0x1  }
0x2: {  	[smem:$0x3F9B] =	sst lr;
	_ =	strace $0xD0000000  }
0x3: {  	_ = 	snop  }
0x4: {  	_ = 	snop  }
0x5: {  	_ = 	snop  }
0x6: {  	_ = 	snop  }
0x7: {  	_ = 	snop  }
__scs_overlays_trampoline_lowered:
0x8: {  	[smem:$0x3FAA] =	sst s0  }
0x9: {  	[smem:$0x3FAB] =	sst s1  }
0xa: {  	[smem:$0x3FAC] =	sst s2  }
0xb: {  	[smem:$0x3FAD] =	sst s3  }
0xc: {  	[smem:$0x3FAE] =	sst s4  }
0xd: {  	[smem:$0x3FAF] =	sst s5  }
0xe: {  	[smem:$0x3FB0] =	sst s6  }
0xf: {  	[smem:$0x3FB1] =	sst s7  }
0x10: {  	[smem:$0x3FB2] =	sst s8  }
0x11: {  	[smem:$0x3FB3] =	sst s9;
	s0 =	simm.s32 @!p0 $0x0  }
0x12: {  	s1 =	sld [smem:$0x3F99];
	s0 =	simm.s32 @p0 $0x1  }
0x13: {  	[smem:$0x3FB4] =	sst s0;
	s0 =	simm.s32 @!p1 $0x0  }
0x14: {  	s2 =	sld [smem:$0x3F98];
	s0 =	simm.s32 @p1 $0x1  }
0x15: {  	[smem:$0x3FB5] =	sst s0;
	s0 =	simm.s32 @!p2 $0x0  }
0x16: {  	s3 =	sld [smem:$0x3FDB];
	s0 =	simm.s32 @p2 $0x1  }
0x17: {  	s4 =	simm.s32 $0x1BF5;
	[smem:$0x3FB7] =	sst s0  }
0x18: {  	s0 =	sld [smem:$0x3F9A];
	_ =	swait.ge [sflag:s4], $0x0  }
0x19: {  	s7 =	sld [smem:$0x3F9B]  }
0x1a: {  	s8 =	sadd.s32 $0xFFFFE003, lr  }
0x1b: {  	s9 =	sadd.s32 $0xFFFFFEF7, lr;
	s5 =	simm.s32 $0xFFFFFFFF;
	p2 =	slt.u32 s8, $0xFFFFF086  }
0x1c: {  	p1 =	slt.u32 s9, $0xF7A;
	s5 =	simm.s32 @!p2 $0x0  }
0x1d: {  	s5 =	simm.s32 @p1 $0x1;
	p0 =	seq.s32 s7, s2  }
0x1e: {  	s7 =	smul.u32 @!p0 $0xF7A, s2;
	p2 =	seq.s32 @!p0 s5, $0x0  }
0x1f: {  	s9 =	smul.u32 $0xF7A, s1;
	s8 =	simm.s32 @!p0 $0x1BF5;
	p2 =	por !p2, p0  }
0x20: {  	[sflag:s8] =	ssyncset.s32 @!p0 $0xFFFFF086;
	s6 =	sadd.s32 @!p0 s3, s7;
	s7 =	simm.s32 @!p0 $0x108  }
0x21: {  	s3 =	sadd.s32 s3, s9;
	s6 =	sadd.s32 @!p0 $0x88, s6;
	s7 =	simm.s32 @p2 $0x1082  }
0x22: {  	[simem:s7], [sflag:s8] =	dma.local @!p0 [hbm:s6], $0xF7A  }
0x23: {  	s9 =	sor.u32 $0xD0000000, s2;
	s6 =	simm.s32 $0x108;
	_ =	swait.ge @!p0 [sflag:s8], $0x0  }
0x24: {  	s3 =	sadd.s32 $0x88, s3;
	s6 =	simm.s32 @!p1 $0x1082;
	[sflag:s4] =	ssyncset.s32 $0xFFFFF086  }
0x25: {  	[simem:s6], [sflag:s4] =	dma.local [hbm:s3], $0xF7A  }
0x26: {  	[smem:$0x3F9B] =	sst s1;
	(tag) =	ssettag s2;
	_ =	strace s9  }
0x27: {  	s1 =	sld [smem:$0x3FAB]  }
0x28: {  	s2 =	sld [smem:$0x3FAC]  }
0x29: {  	s4 =	sld [smem:$0x3FAE]  }
0x2a: {  	p0 =	seq.s32 s5, $0x0;
	s5 =	sld [smem:$0x3FAF]  }
0x2b: {  	s6 =	sld [smem:$0x3FB0]  }
0x2c: {  	s7 =	sld [smem:$0x3FB1]  }
0x2d: {  	s3 =	simm.s32 $0x108;
	s8 =	sld [smem:$0x3FB2]  }
0x2e: {  	s3 =	simm.s32 @!p0 $0x1082;
	s9 =	sld [smem:$0x3FB3]  }
0x2f: {  	lr =	sadd.s32 s0, s3;
	s0 =	sld [smem:$0x3FAA]  }
0x30: {  	s3 =	sld [smem:$0x3FAD]  }
0x31: {  	[smem:$0x3FB6] =	sst s10  }
0x32: {  	s10 =	sld [smem:$0x3FB4];
	_ =	sdelay $0x3  }
0x33: {  	p0 =	seq.s32 s10, $0x1;
	s10 =	sld [smem:$0x3FB6];
	_ =	sdelay $0x3  }
0x34: {  	[smem:$0x3FB6] =	sst s10  }
0x35: {  	s10 =	sld [smem:$0x3FB5];
	_ =	sdelay $0x3  }
0x36: {  	p1 =	seq.s32 s10, $0x1;
	s10 =	sld [smem:$0x3FB6];
	_ =	sdelay $0x3  }
0x37: {  	[smem:$0x3FB6] =	sst s10  }
0x38: {  	s10 =	sld [smem:$0x3FB7]  }
0x39: {  	_ = 	snop;
	(pc) =	sbr.ind lr, $3  }
0x3a: {  	_ = 	snop  }
0x3b: {  	_ = 	snop  }
0x3c: {  	p2 =	seq.s32 s10, $0x1;
	s10 =	sld [smem:$0x3FB6]  }
0x3d: {  	_ =	shalt  }
0x3e: {  	_ =	shalt  }
0x3f: {  	_ =	shalt  }
0x40: {  	_ =	shalt  }
0x41: {  	_ =	shalt  }
0x42: {  	_ =	shalt  }
0x43: {  	_ =	shalt  }
0x44: {  	_ =	shalt  }
0x45: {  	_ =	shalt  }
0x46: {  	_ =	shalt  }
0x47: {  	_ =	shalt  }
0x48: {  	_ =	shalt  }
0x49: {  	_ =	shalt  }
0x4a: {  	_ =	shalt  }
0x4b: {  	_ =	shalt  }
0x4c: {  	_ =	shalt  }
0x4d: {  	_ =	shalt  }
0x4e: {  	_ =	shalt  }
0x4f: {  	_ =	shalt  }
0x50: {  	_ =	shalt  }
0x51: {  	_ =	shalt  }
0x52: {  	_ =	shalt  }
0x53: {  	_ =	shalt  }
0x54: {  	_ =	shalt  }
0x55: {  	_ =	shalt  }
0x56: {  	_ =	shalt  }
0x57: {  	_ =	shalt  }
0x58: {  	_ =	shalt  }
0x59: {  	_ =	shalt  }
0x5a: {  	_ =	shalt  }
0x5b: {  	_ =	shalt  }
0x5c: {  	_ =	shalt  }
0x5d: {  	_ =	shalt  }
0x5e: {  	_ =	shalt  }
0x5f: {  	_ =	shalt  }
0x60: {  	_ =	shalt  }
0x61: {  	_ =	shalt  }
0x62: {  	_ =	shalt  }
0x63: {  	_ =	shalt  }
0x64: {  	_ =	shalt  }
0x65: {  	_ =	shalt  }
0x66: {  	_ =	shalt  }
0x67: {  	_ =	shalt  }
0x68: {  	_ =	shalt  }
0x69: {  	_ =	shalt  }
0x6a: {  	_ =	shalt  }
0x6b: {  	_ =	shalt  }
0x6c: {  	_ =	shalt  }
0x6d: {  	_ =	shalt  }
0x6e: {  	_ =	shalt  }
0x6f: {  	_ =	shalt  }
0x70: {  	_ =	shalt  }
0x71: {  	_ =	shalt  }
0x72: {  	_ =	shalt  }
0x73: {  	_ =	shalt  }
0x74: {  	_ =	shalt  }
0x75: {  	_ =	shalt  }
0x76: {  	_ =	shalt  }
0x77: {  	_ =	shalt  }
0x78: {  	_ =	shalt  }
0x79: {  	_ =	shalt  }
0x7a: {  	_ =	shalt  }
0x7b: {  	_ =	shalt  }
0x7c: {  	_ =	shalt  }
0x7d: {  	_ =	shalt  }
0x7e: {  	_ =	shalt  }
0x7f: {  	_ =	shalt  }
0x80: {  	_ =	shalt  }
0x81: {  	_ =	shalt  }
0x82: {  	_ =	shalt  }
0x83: {  	_ =	shalt  }
0x84: {  	_ =	shalt  }
0x85: {  	_ =	shalt  }
0x86: {  	_ =	shalt  }
0x87: {  	_ =	shalt  }
.Lfunc_end0:
.L_simem_size_0:
called_computation.2_lowered:
.L_overlay_start_0:
0x88: {  	s2 =	sld [smem:$0x3FD9]  }
0x89: {  	s3 =	sld [smem:$0x3FFE];
	_ =	sdelay $0x1  }
0x8a: {  	s1 =	srdreg.scid  }
0x8b: {  	s0 =	sand.u32 $0x1, s1  }
0x8c: {  	s14 =	sshll.u32 s0, $0xA;
	s2 =	sadd.s32 s3, s2  }
0x8d: {  	s2 =	sadd.s32 s2, s14  }
0x8e: {  	[smem:$0x3FC2] =	sst s2  }
0x8f: {  	_ = 	snop  }
0x90: {  	s2 =	sld [smem:$0x3FD0];
	_ =	sdelay $0x2  }
0x91: {  	s15 =	simm.s32 $0xB;
	s4 =	simm.s32 $0x10  }
0x92: {  	[smem:s4], [sflag:s15] =	dma.local [hbm:s2], $0x1  }
0x93: {  	_ =	swait.eq [sflag:s15], $0x1  }
0x94: {  	[sflag:s15] =	ssyncset.done $0x0  }
0x95: {  	[sflag:s15] =	ssyncadd.s32 $0xFFFFFFFF  }
0x96: {  	s16 =	sld [smem:$0x11];
	(tm) =	ssettm $0x1  }
0x97: {  	s17 =	sld [smem:$0x3FFB];
	_ =	sdelay $0x3  }
0x98: {  	_ =	strace s17  }
0x99: {  	s3 =	sld [smem:$0x3FFC];
	_ =	sdelay $0x3  }
0x9a: {  	_ =	strace s3  }
0x9b: {  	s3 =	sld [smem:$0x3FFD];
	_ =	sdelay $0x3  }
0x9c: {  	_ =	strace s3  }
0x9d: {  	_ =	strace $0x8FFFFFFF  }
0x9e: {  	s18 =	sld [smem:$0x3FDB];
	_ =	sdelay $0x1  }
0x9f: {  	s19 =	simm.s32 $_scs_section_size  }
0xa0: {  	s5 =	simm.s32 $_size__tile_overlayer_lowered;
	s6 =	simm.s32 $_tile_overlayer_lowered  }
0xa1: {  	s22 =	simm.s32 $0x1BFF;
	s21 =	sshll.u32 s6, $0x1;
	s3 =	sadd.s32 s19, s18  }
0xa2: {  	s7 =	simm.s32 $0x0;
	s20 =	sshll.u32 s5, $0x1;
	s5 =	sadd.s32 s21, s3  }
0xa3: {  	[timem:s7], [sflag:s22] =	dma.local [hbm:s5], s20  }
0xa4: {  	_ =	swait.ge [sflag:s22], s20  }
0xa5: {  	s4 =	ssub.s32 $0x0, s20;
	[sflag:s22] =	ssyncset.done $0x0  }
0xa6: {  	[sflag:s22] =	ssyncadd.s32 s4;
	_ =	sdelay $0x1  }
0xa7: {  	s23 =	simm.s32 $0x1B8B  }
0xa8: {  	_ =	swait.ge [sflag:s23], $0x1  }
0xa9: {  	[sflag:s23] =	ssyncset.done $0x0  }
0xaa: {  	s25 =	simm.s32 $0x1B8E;
	s24 =	sld [smem:$0x3FFE];
	[sflag:s23] =	ssyncadd.s32 $0xFFFFFFFF  }
0xab: {  	s26 =	simm.s32 $execute0_lowered;
	[smem:$0x3FD2] =	sst s25  }
0xac: {  	s5 =	sshll.u32 s26, $0x1;
	_ =	strace $0x8000004C;
	[dreg:$0x1] =	wrdreg $0xFFFFFFFF  }
0xad: {  	s28 =	simm.s32 $_size_execute0_lowered;
	s3 =	sadd.s32 s3, s5;
	[dreg:$0x0] =	wrdreg $0x0  }
0xae: {  	s5 =	sshll.u32 s28, $0x1;
	[dreg:$0x2] =	wrdreg s3  }
0xaf: {  	[dreg:$0x3] =	wrdreg s5  }
0xb0: {  	[dreg:$0x4] =	wrdreg $0xC0  }
0xb1: {  	_ =	task [dreg:s7], $0x5FFFF  }
0xb2: {  	[dreg:$0x1] =	wrdreg $0xFFFFFFFF  }
0xb3: {  	[dreg:$0x0] =	wrdreg $0x60  }
0xb4: {  	[dreg:$0x2] =	wrdreg s24  }
0xb5: {  	[dreg:$0x3] =	wrdreg s16  }
0xb6: {  	[dreg:$0x4] =	wrdreg $0x152200  }
0xb7: {  	[dreg:$0x5] =	wrdreg $0x9  }
0xb8: {  	_ =	task.clear_ibuf [dreg:s7], $0x6FFFF;
	_ =	strace $0x9000004C  }
0xb9: {  	s29 =	simm.s32 $0x9;
	_ =	strace $0x8000004E  }
0xba: {  	_ =	swait.ge [sflag:s29], $0x1  }
0xbb: {  	[sflag:s29] =	ssyncadd.s32 $0xFFFFFFFF  }
0xbc: {  	_ =	strace $0x9000004E  }
0xbd: {  	_ =	sfence  }
0xbe: {  	s30 =	sld [smem:$0x0];
	_ =	sdelay $0x2  }
0xbf: {  	s31 =	sshll.u32 s1, $0xD;
	s1 =	sshrl.u32 s1, $0x2  }
0xc0: {  	s3 =	sand.u32 $0x4000, s31;
	s1 =	sadd.s32 s1, s30  }
0xc1: {  	s0 =	sor.u32 s3, s0;
	s1 =	sshll.u32 s1, $0x11  }
0xc2: {  	s0 =	sor.u32 s1, s0  }
0xc3: {  	s0 =	sadd.s32 $0x8F2B, s0  }
0xc4: {  	[sflag:s0] =	ssyncadd.remote.s32 $0x1  }
0xc5: {  	_ =	sfence.sel $0xFFFF  }
0xc6: {  	[dreg:$0x0] =	wrdreg $0xFFFFFFFF;
	(pc) =	sbr.abs _section_cstart, $3  }
0xc7: {  	[dreg:$0x1] =	wrdreg $0xFFFFFFFF  }
0xc8: {  	_ =	task.clear_ibuf [dreg:s7], $0x2FFFF;
	_ =	strace $0x9FFFFFFF  }
0xc9: {  	(tm) =	ssettm $0x7FFFFFFF  }
tec
execute0_lowered:
.L_overlay_start_1:
0x0: {  	(tag) =	ssettag $0x1  }
0x1: {  	s0 =	rddreg [dreg:$0x0]  }
0x2: {  	s1 =	rddreg [dreg:$0x1];
	s3 =	srdreg.scid  }
0x3: {  	s2 =	rddreg [dreg:$0x2];
	s7 =	stileid.u32;
	s11 =	simm.s32 $0xB220  }
0x4: {  	s12 =	simm.s32 $0x6;
	s14 =	simm.s32 $0x50;
	s15 =	simm.s32 $0x4E20  }
0x5: {  	s16 =	simm.s32 $0x6220;
	s18 =	simm.s32 $0x7620;
	s20 =	simm.s32 $0x8A20  }
0x6: {  	s22 =	simm.s32 $0x9E20;
	s23 =	simm.s32 $0x1;
	s24 =	simm.s32 $0x2  }
0x7: {  	s28 =	simm.s32 $0x5;
	s29 =	simm.s32 $0x4C90;
	s30 =	simm.s32 $0x4CE0  }
0x8: {  	s31 =	simm.s32 $0x4D30;
	s13 =	simm.s32 $0x0;
	s5 =	sand.u32 $0x1, s3  }
0x9: {  	s6 =	smul.u32 $0xA000, s7;
	s3 =	simm.s32 $0x0;
	s4 =	sshll.u32 s5, $0x4  }
0xa: {  	s25 =	smul.u32 $0xA0000, s5;
	[smem:$0x7FF] =	sst s3;
	s5 =	ssub.s32 $0x2, s5  }
0xb: {  	s4 =	sor.u32 s7, s4;
	_ =	strace $0x8000004D;
	s26 =	sshrl.u32 s5, $0x1  }
0xc: {  	s9 =	sshrl.u32 s6, $0x3;
	s8 =	smul.u32 $0x4E2, s4;
	s4 =	sadd.s32 $0x14A00, s0  }
0xd: {  	s7 =	sadd.s32 s6, s25;
	s10 =	ssub.s32 s5, s26;
	s5 =	sadd.s32 s1, s9  }
0xe: {  	s6 =	sadd.s32 s6, s2;
	s25 =	simm.s32 $0x3;
	s26 =	simm.s32 $0x4  }
0xf: {  	s1 =	simm.s32 $0x4DD0;
	s7 =	sshrl.u32 s7, $0x3;
	s8 =	sadd.s32 s8, s0  }
0x10: {  	s10 =	smax.u32 s10, $0x1;
	s0 =	sadd.s32 s7, s0;
	s7 =	sadd.s32 $0xAC00, s8  }
0x11: {  	s8 =	sadd.s32 $0xE00, s8;
	s9 =	sadd.s32 $0x28400, s0;
	s0 =	simm.s32 $0x4D80  }
.LBB2_1:
0x12: {  	[tilespmem:s11], [sflag:$0x6] =	stream.linear.gather [hbm4b:s5+s3], $0xA000, $0x38;
	[tilespmem:$0x1F220] =	vst v63  }
0x13: {  	_ =	swait.ge [sflag:s12], $0xA000  }
0x14: {  	[sflag:s12] =	ssyncset.done $0x0  }
0x15: {  	[sflag:s12] =	ssyncadd.s32 $0xFFFF6000  }
0x16: {  	[spmem:s6] =	stream.linear.scatter [tilespmem:s11], [sflag:$0x6], $0xA000, $0x38;
	[tilespmem:$0x1F220] =	vst v63  }
0x17: {  	_ =	swait.ge [sflag:s12], $0xA000  }
0x18: {  	[sflag:s12] =	ssyncset.done $0x0  }
0x19: {  	[sflag:s12] =	ssyncadd.s32 $0xFFFF6000  }
0x1a: {  	[tilespmem:s3], [sflag:$0x6] =	stream.linear.gather [hbm4b:s7+s3], $0x2710, $0x38;
	[tilespmem:$0x1F220] =	vst v63  }
0x1b: {  	_ =	swait.ge [sflag:s12], $0x2710  }
0x1c: {  	[sflag:s12] =	ssyncset.done $0x0  }
0x1d: {  	s17 =	simm.s32 $0x2710;
	[sflag:s12] =	ssyncadd.s32 $0xFFFFD8F0  }
0x1e: {  	[tilespmem:s17], [sflag:$0x6] =	stream.linear.gather [hbm4b:s8+s3], $0x2710, $0x38;
	[tilespmem:$0x1F220] =	vst v63  }
0x1f: {  	_ =	swait.ge [sflag:s12], $0x2710  }
0x20: {  	[sflag:s12] =	ssyncset.done $0x0  }
0x21: {  	[sflag:s12] =	ssyncadd.s32 $0xFFFFD8F0  }
0x22: {  	[bflag:$0x0] =	sbarrier.arrive $0xFFFF  }
0x23: {  	[tilespmem:s15], [sflag:$0x1] =	stream.indirect.gather [hbm4b:s4+s14], $0x40, s3, s14, $0xb8;
	[tilespmem:$0x1F220] =	vst v63  }
0x24: {  	_ = 	snop  }
0x25: {  	[tilespmem:s16], [sflag:$0x2] =	stream.indirect.gather [hbm4b:s4+s14], $0x40, s14, s14, $0xb8;
	[tilespmem:$0x1F220] =	vst v63  }
0x26: {  	s19 =	simm.s32 $0xA0  }
0x27: {  	[tilespmem:s18], [sflag:$0x3] =	stream.indirect.gather [hbm4b:s4+s14], $0x40, s19, s14, $0xb8;
	[tilespmem:$0x1F220] =	vst v63  }
0x28: {  	s21 =	simm.s32 $0xF0  }
0x29: {  	[tilespmem:s20], [sflag:$0x4] =	stream.indirect.gather [hbm4b:s4+s14], $0x40, s21, s14, $0xb8;
	[tilespmem:$0x1F220] =	vst v63  }
0x2a: {  	s19 =	simm.s32 $0x140  }
0x2b: {  	[tilespmem:s22], [sflag:$0x5] =	stream.indirect.gather [hbm4b:s4+s14], $0x40, s19, s14, $0xb8;
	[tilespmem:$0x1F220] =	vst v63  }
0x2c: {  	_ =	swait.ge [sflag:s23], $0x1400  }
0x2d: {  	[sflag:s23] =	ssyncset.done $0x0  }
0x2e: {  	s21 =	simm.s32 $0x2710;
	[sflag:s23] =	ssyncadd.s32 $0xFFFFEC00  }
0x2f: {  	[spmem:s2] =	stream.indirect.scatter.add.f32 [tilespmem:s15], [sflag:$0x6], $0x40, s21, s14, $0xb8;
	[tilespmem:$0x1F220] =	vst v63  }
0x30: {  	_ =	swait.ge [sflag:s12], $0x1400  }
0x31: {  	[sflag:s12] =	ssyncset.done $0x0  }
0x32: {  	s19 =	simm.s32 $0x190;
	[sflag:s12] =	ssyncadd.s32 $0xFFFFEC00  }
0x33: {  	[tilespmem:s15], [sflag:$0x1] =	stream.indirect.gather [hbm4b:s4+s14], $0x40, s19, s14, $0xb8;
	[tilespmem:$0x1F220] =	vst v63  }
0x34: {  	_ =	swait.ge [sflag:s24], $0x1400  }
0x35: {  	[sflag:s24] =	ssyncset.done $0x0  }
0x36: {  	s21 =	simm.s32 $0x2760;
	[sflag:s24] =	ssyncadd.s32 $0xFFFFEC00  }
0x37: {  	[spmem:s2] =	stream.indirect.scatter.add.f32 [tilespmem:s16], [sflag:$0x6], $0x40, s21, s14, $0xb8;
	[tilespmem:$0x1F220] =	vst v63  }
0x38: {  	_ =	swait.ge [sflag:s12], $0x1400  }
0x39: {  	[sflag:s12] =	ssyncset.done $0x0  }
0x3a: {  	s19 =	simm.s32 $0x1E0;
	[sflag:s12] =	ssyncadd.s32 $0xFFFFEC00  }
0x3b: {  	[tilespmem:s16], [sflag:$0x2] =	stream.indirect.gather [hbm4b:s4+s14], $0x40, s19, s14, $0xb8;
	[tilespmem:$0x1F220] =	vst v63  }
0x3c: {  	_ =	swait.ge [sflag:s25], $0x1400  }
0x3d: {  	[sflag:s25] =	ssyncset.done $0x0  }
0x3e: {  	s21 =	simm.s32 $0x27B0;
	[sflag:s25] =	ssyncadd.s32 $0xFFFFEC00  }
0x3f: {  	[spmem:s2] =	stream.indirect.scatter.add.f32 [tilespmem:s18], [sflag:$0x6], $0x40, s21, s14, $0xb8;
	[tilespmem:$0x1F220] =	vst v63  }
0x40: {  	_ =	swait.ge [sflag:s12], $0x1400  }
0x41: {  	[sflag:s12] =	ssyncset.done $0x0  }
0x42: {  	s19 =	simm.s32 $0x230;
	[sflag:s12] =	ssyncadd.s32 $0xFFFFEC00  }
0x43: {  	[tilespmem:s18], [sflag:$0x3] =	stream.indirect.gather [hbm4b:s4+s14], $0x40, s19, s14, $0xb8;
	[tilespmem:$0x1F220] =	vst v63  }
0x44: {  	_ =	swait.ge [sflag:s26], $0x1400  }
0x45: {  	[sflag:s26] =	ssyncset.done $0x0  }
0x46: {  	s21 =	simm.s32 $0x2800;
	[sflag:s26] =	ssyncadd.s32 $0xFFFFEC00  }
0x47: {  	[spmem:s2] =	stream.indirect.scatter.add.f32 [tilespmem:s20], [sflag:$0x6], $0x40, s21, s14, $0xb8;
	[tilespmem:$0x1F220] =	vst v63  }
0x48: {  	_ =	swait.ge [sflag:s12], $0x1400  }
0x49: {  	[sflag:s12] =	ssyncset.done $0x0  }
0x4a: {  	s19 =	simm.s32 $0x280;
	[sflag:s12] =	ssyncadd.s32 $0xFFFFEC00  }
0x4b: {  	[tilespmem:s20], [sflag:$0x4] =	stream.indirect.gather [hbm4b:s4+s14], $0x40, s19, s14, $0xb8;
	[tilespmem:$0x1F220] =	vst v63  }
0x4c: {  	_ =	swait.ge [sflag:s28], $0x1400  }
0x4d: {  	[sflag:s28] =	ssyncset.done $0x0  }
0x4e: {  	s21 =	simm.s32 $0x2850;
	[sflag:s28] =	ssyncadd.s32 $0xFFFFEC00  }
0x4f: {  	[spmem:s2] =	stream.indirect.scatter.add.f32 [tilespmem:s22], [sflag:$0x6], $0x40, s21, s14, $0xb8;
	[tilespmem:$0x1F220] =	vst v63  }
0x50: {  	_ =	swait.ge [sflag:s12], $0x1400  }
0x51: {  	[sflag:s12] =	ssyncset.done $0x0  }
0x52: {  	s17 =	simm.s32 $0x640;
	s19 =	simm.s32 $0x2D0;
	[sflag:s12] =	ssyncadd.s32 $0xFFFFEC00  }
.LBB2_2:
0x53: {  	[tilespmem:s22], [sflag:$0x5] =	stream.indirect.gather [hbm4b:s4+s14], $0x40, s19, s14, $0xb8;
	[tilespmem:$0x1F220] =	vst v63  }
0x54: {  	s19 =	smov.u32 s17  }
0x55: {  	p0 =	sne.s32 s17, $0x8FC0;
	s17 =	sadd.s32 $0x640, s17;
	_ =	swait.ge [sflag:s23], $0x1400  }
0x56: {  	s19 =	sshra.s32 s19, $0x2;
	[sflag:s23] =	ssyncset.done $0x0  }
0x57: {  	s21 =	sadd.s32 $0x2710, s19;
	[sflag:s23] =	ssyncadd.s32 $0xFFFFEC00  }
0x58: {  	[spmem:s2] =	stream.indirect.scatter.add.f32 [tilespmem:s15], [sflag:$0x6], $0x40, s21, s14, $0xb8;
	[tilespmem:$0x1F220] =	vst v63  }
0x59: {  	_ =	swait.ge [sflag:s12], $0x1400  }
0x5a: {  	[sflag:s12] =	ssyncset.done $0x0  }
0x5b: {  	s21 =	sadd.s32 $0x190, s19;
	[sflag:s12] =	ssyncadd.s32 $0xFFFFEC00  }
0x5c: {  	[tilespmem:s15], [sflag:$0x1] =	stream.indirect.gather [hbm4b:s4+s14], $0x40, s21, s14, $0xb8;
	[tilespmem:$0x1F220] =	vst v63  }
0x5d: {  	_ =	swait.ge [sflag:s24], $0x1400  }
0x5e: {  	[sflag:s24] =	ssyncset.done $0x0  }
0x5f: {  	s21 =	sadd.s32 $0x2760, s19;
	[sflag:s24] =	ssyncadd.s32 $0xFFFFEC00  }
0x60: {  	[spmem:s2] =	stream.indirect.scatter.add.f32 [tilespmem:s16], [sflag:$0x6], $0x40, s21, s14, $0xb8;
	[tilespmem:$0x1F220] =	vst v63  }
0x61: {  	_ =	swait.ge [sflag:s12], $0x1400  }
0x62: {  	[sflag:s12] =	ssyncset.done $0x0  }
0x63: {  	s21 =	sadd.s32 $0x1E0, s19;
	[sflag:s12] =	ssyncadd.s32 $0xFFFFEC00  }
0x64: {  	[tilespmem:s16], [sflag:$0x2] =	stream.indirect.gather [hbm4b:s4+s14], $0x40, s21, s14, $0xb8;
	[tilespmem:$0x1F220] =	vst v63  }
0x65: {  	_ =	swait.ge [sflag:s25], $0x1400  }
0x66: {  	[sflag:s25] =	ssyncset.done $0x0  }
0x67: {  	s21 =	sadd.s32 $0x27B0, s19;
	[sflag:s25] =	ssyncadd.s32 $0xFFFFEC00  }
0x68: {  	[spmem:s2] =	stream.indirect.scatter.add.f32 [tilespmem:s18], [sflag:$0x6], $0x40, s21, s14, $0xb8;
	[tilespmem:$0x1F220] =	vst v63  }
0x69: {  	_ =	swait.ge [sflag:s12], $0x1400  }
0x6a: {  	[sflag:s12] =	ssyncset.done $0x0  }
0x6b: {  	s21 =	sadd.s32 $0x230, s19;
	[sflag:s12] =	ssyncadd.s32 $0xFFFFEC00  }
0x6c: {  	[tilespmem:s18], [sflag:$0x3] =	stream.indirect.gather [hbm4b:s4+s14], $0x40, s21, s14, $0xb8;
	[tilespmem:$0x1F220] =	vst v63  }
0x6d: {  	_ =	swait.ge [sflag:s26], $0x1400  }
0x6e: {  	[sflag:s26] =	ssyncset.done $0x0  }
0x6f: {  	s21 =	sadd.s32 $0x2800, s19;
	[sflag:s26] =	ssyncadd.s32 $0xFFFFEC00  }
0x70: {  	[spmem:s2] =	stream.indirect.scatter.add.f32 [tilespmem:s20], [sflag:$0x6], $0x40, s21, s14, $0xb8;
	[tilespmem:$0x1F220] =	vst v63  }
0x71: {  	_ =	swait.ge [sflag:s12], $0x1400  }
0x72: {  	[sflag:s12] =	ssyncset.done $0x0  }
0x73: {  	s21 =	sadd.s32 $0x280, s19;
	[sflag:s12] =	ssyncadd.s32 $0xFFFFEC00  }
0x74: {  	[tilespmem:s20], [sflag:$0x4] =	stream.indirect.gather [hbm4b:s4+s14], $0x40, s21, s14, $0xb8;
	[tilespmem:$0x1F220] =	vst v63  }
0x75: {  	_ =	swait.ge [sflag:s28], $0x1400  }
0x76: {  	[sflag:s28] =	ssyncset.done $0x0  }
.Ltmp0:
0x77: {  	s21 =	sadd.s32 $0x2850, s19;
	[sflag:s28] =	ssyncadd.s32 $0xFFFFEC00;
	(pc) =	sbr.rel @p0 .LBB2_2-.Ltmp0, $4  }
0x78: {  	[spmem:s2] =	stream.indirect.scatter.add.f32 [tilespmem:s22], [sflag:$0x6], $0x40, s21, s14, $0xb8;
	[tilespmem:$0x1F220] =	vst v63  }
0x79: {  	_ =	swait.ge [sflag:s12], $0x1400  }
0x7a: {  	[sflag:s12] =	ssyncset.done $0x0  }
0x7b: {  	s19 =	sadd.s32 $0x2D0, s19;
	[sflag:s12] =	ssyncadd.s32 $0xFFFFEC00  }
0x7c: {  	[tilespmem:s22], [sflag:$0x5] =	stream.indirect.gather [hbm4b:s4+s14], $0x40, s19, s14, $0xb8;
	[tilespmem:$0x1F220] =	vst v63  }
0x7d: {  	_ =	swait.ge [sflag:s23], $0x1400  }
0x7e: {  	[sflag:s23] =	ssyncset.done $0x0  }
0x7f: {  	[sflag:s23] =	ssyncadd.s32 $0xFFFFEC00  }
0x80: {  	[spmem:s2] =	stream.indirect.scatter.add.f32 [tilespmem:s15], [sflag:$0x6], $0x40, s29, s14, $0xb8;
	[tilespmem:$0x1F220] =	vst v63  }
0x81: {  	_ =	swait.ge [sflag:s12], $0x1400  }
0x82: {  	[sflag:s12] =	ssyncset.done $0x0  }
0x83: {  	[sflag:s12] =	ssyncadd.s32 $0xFFFFEC00  }
0x84: {  	_ =	swait.ge [sflag:s24], $0x1400  }
0x85: {  	[sflag:s24] =	ssyncset.done $0x0  }
0x86: {  	[sflag:s24] =	ssyncadd.s32 $0xFFFFEC00  }
0x87: {  	[spmem:s2] =	stream.indirect.scatter.add.f32 [tilespmem:s16], [sflag:$0x6], $0x40, s30, s14, $0xb8;
	[tilespmem:$0x1F220] =	vst v63  }
0x88: {  	_ =	swait.ge [sflag:s12], $0x1400  }
0x89: {  	[sflag:s12] =	ssyncset.done $0x0  }
0x8a: {  	[sflag:s12] =	ssyncadd.s32 $0xFFFFEC00  }
0x8b: {  	_ =	swait.ge [sflag:s25], $0x1400  }
0x8c: {  	[sflag:s25] =	ssyncset.done $0x0  }
0x8d: {  	[sflag:s25] =	ssyncadd.s32 $0xFFFFEC00  }
0x8e: {  	[spmem:s2] =	stream.indirect.scatter.add.f32 [tilespmem:s18], [sflag:$0x6], $0x40, s31, s14, $0xb8;
	[tilespmem:$0x1F220] =	vst v63  }
0x8f: {  	_ =	swait.ge [sflag:s12], $0x1400  }
0x90: {  	[sflag:s12] =	ssyncset.done $0x0  }
0x91: {  	[sflag:s12] =	ssyncadd.s32 $0xFFFFEC00  }
0x92: {  	_ =	swait.ge [sflag:s26], $0x1400  }
0x93: {  	[sflag:s26] =	ssyncset.done $0x0  }
0x94: {  	[sflag:s26] =	ssyncadd.s32 $0xFFFFEC00  }
0x95: {  	[spmem:s2] =	stream.indirect.scatter.add.f32 [tilespmem:s20], [sflag:$0x6], $0x40, s0, s14, $0xb8;
	[tilespmem:$0x1F220] =	vst v63  }
0x96: {  	_ =	swait.ge [sflag:s12], $0x1400  }
0x97: {  	[sflag:s12] =	ssyncset.done $0x0  }
0x98: {  	[sflag:s12] =	ssyncadd.s32 $0xFFFFEC00  }
0x99: {  	_ =	swait.ge [sflag:s28], $0x1400  }
0x9a: {  	[sflag:s28] =	ssyncset.done $0x0  }
0x9b: {  	[sflag:s28] =	ssyncadd.s32 $0xFFFFEC00  }
0x9c: {  	[spmem:s2] =	stream.indirect.scatter.add.f32 [tilespmem:s22], [sflag:$0x6], $0x40, s1, s14, $0xb8;
	[tilespmem:$0x1F220] =	vst v63  }
0x9d: {  	_ =	swait.ge [sflag:s12], $0x1400  }
0x9e: {  	[sflag:s12] =	ssyncset.done $0x0  }
0x9f: {  	[sflag:s12] =	ssyncadd.s32 $0xFFFFEC00  }
0xa0: {  	[bflag:$0x0] =	sbarrier.arrive $0xFFFF  }
0xa1: {  	[tilespmem:s11], [sflag:$0x6] =	stream.linear.gather [spmem:s6], $0xA000, $0x38;
	[tilespmem:$0x1F220] =	vst v63  }
0xa2: {  	s13 =	sadd.s32 $0x1, s13;
	_ =	swait.ge [sflag:s12], $0xA000  }
0xa3: {  	p0 =	sne.s32 s13, s10;
	[sflag:s12] =	ssyncset.done $0x0  }
.Ltmp1:
0xa4: {  	[sflag:s12] =	ssyncadd.s32 $0xFFFF6000;
	(pc) =	sbr.rel @p0 .LBB2_1-.Ltmp1, $4  }
0xa5: {  	[hbm4b:s9+s3] =	stream.linear.scatter [tilespmem:s11], [sflag:$0x6], $0xA000, $0x38;
	[tilespmem:$0x1F220] =	vst v63  }
0xa6: {  	_ =	swait.ge [sflag:s12], $0xA000  }
0xa7: {  	[sflag:s12] =	ssyncset.done $0x0  }
0xa8: {  	[sflag:s12] =	ssyncadd.s32 $0xFFFF6000  }
0xa9: {  	_ =	sfence.sel $0x180000  }
0xaa: {  	[bflag:$0x0] =	sbarrier.arrive $0xFFFF  }
0xab: {  	_ =	strace $0x9000004D  }
0xac: {  	s0 =	stileid.u32;
	[bflag:$0x2] =	sbarrier.arrive $0xFFFF  }
0xad: {  	p0 =	sne.s32 s0, $0x0;
	s0 =	rddreg [dreg:$0x3]  }
0xae: {  	s0 =	sadd.s32 @!p0 $0x100000, s0  }
0xaf: {  	[sflag:s0] =	ssyncadd.tile.s32 @!p0 $0x1;
	_ =	shalt  }
.Lfunc_end2:
_tile_overlayer_lowered:
.L_overlay_start_2:
0xb0: {  	(tag) =	ssettag $0x2  }
0xb1: {  	s0 =	rddreg [dreg:$0x0];
	s2 =	stileid.u32  }
0xb2: {  	s1 =	rddreg [dreg:$0x1];
	p0 =	sne.s32 s2, $0x0  }
0xb3: {  	s3 =	rddreg [dreg:$0x2];
	[bflag:$0x3] =	sbarrier.arrive $0xFFFF;
	s2 =	simm.s32 @!p0 $0x1C06  }
0xb4: {  	[timem:s3], [sflag:s2] =	dma.local @!p0 [hbm:s0], s1  }
0xb5: {  	s0 =	simm.s32 @!p0 $0x6  }
0xb6: {  	_ =	swait.ge @!p0 [sflag:s0], s1  }
0xb7: {  	s1 =	ssub.s32 @!p0 $0x0, s1;
	[sflag:s0] =	ssyncset.done @!p0 $0x0  }
0xb8: {  	[sflag:s0] =	ssyncadd.s32 @!p0 s1  }
0xb9: {  	[bflag:$0x3] =	sbarrier.arrive $0xFFFF  }
0xba: {  	_ =	shalt  }

// kernel: kernel.8.cloned.1.call-start
scs
__scs_entry_jumppad:
0x0: {  	(pc) =	sbr.rel $0x88, $3  }
0x1: {  	(tag) =	ssettag $0x0;
	lr =	simm.s32 $0x1  }
0x2: {  	[smem:$0x3F9B] =	sst lr;
	_ =	strace $0xD0000000  }
0x3: {  	_ = 	snop  }
0x4: {  	_ = 	snop  }
0x5: {  	_ = 	snop  }
0x6: {  	_ = 	snop  }
0x7: {  	_ = 	snop  }
__scs_overlays_trampoline_lowered:
0x8: {  	[smem:$0x3FAA] =	sst s0  }
0x9: {  	[smem:$0x3FAB] =	sst s1  }
0xa: {  	[smem:$0x3FAC] =	sst s2  }
0xb: {  	[smem:$0x3FAD] =	sst s3  }
0xc: {  	[smem:$0x3FAE] =	sst s4  }
0xd: {  	[smem:$0x3FAF] =	sst s5  }
0xe: {  	[smem:$0x3FB0] =	sst s6  }
0xf: {  	[smem:$0x3FB1] =	sst s7  }
0x10: {  	[smem:$0x3FB2] =	sst s8  }
0x11: {  	[smem:$0x3FB3] =	sst s9;
	s0 =	simm.s32 @!p0 $0x0  }
0x12: {  	s1 =	sld [smem:$0x3F99];
	s0 =	simm.s32 @p0 $0x1  }
0x13: {  	[smem:$0x3FB4] =	sst s0;
	s0 =	simm.s32 @!p1 $0x0  }
0x14: {  	s2 =	sld [smem:$0x3F98];
	s0 =	simm.s32 @p1 $0x1  }
0x15: {  	[smem:$0x3FB5] =	sst s0;
	s0 =	simm.s32 @!p2 $0x0  }
0x16: {  	s3 =	sld [smem:$0x3FDB];
	s0 =	simm.s32 @p2 $0x1  }
0x17: {  	s4 =	simm.s32 $0x1BF5;
	[smem:$0x3FB7] =	sst s0  }
0x18: {  	s0 =	sld [smem:$0x3F9A];
	_ =	swait.ge [sflag:s4], $0x0  }
0x19: {  	s7 =	sld [smem:$0x3F9B]  }
0x1a: {  	s8 =	sadd.s32 $0xFFFFE003, lr  }
0x1b: {  	s9 =	sadd.s32 $0xFFFFFEF7, lr;
	s5 =	simm.s32 $0xFFFFFFFF;
	p2 =	slt.u32 s8, $0xFFFFF086  }
0x1c: {  	p1 =	slt.u32 s9, $0xF7A;
	s5 =	simm.s32 @!p2 $0x0  }
0x1d: {  	s5 =	simm.s32 @p1 $0x1;
	p0 =	seq.s32 s7, s2  }
0x1e: {  	s7 =	smul.u32 @!p0 $0xF7A, s2;
	p2 =	seq.s32 @!p0 s5, $0x0  }
0x1f: {  	s9 =	smul.u32 $0xF7A, s1;
	s8 =	simm.s32 @!p0 $0x1BF5;
	p2 =	por !p2, p0  }
0x20: {  	[sflag:s8] =	ssyncset.s32 @!p0 $0xFFFFF086;
	s6 =	sadd.s32 @!p0 s3, s7;
	s7 =	simm.s32 @!p0 $0x108  }
0x21: {  	s3 =	sadd.s32 s3, s9;
	s6 =	sadd.s32 @!p0 $0x88, s6;
	s7 =	simm.s32 @p2 $0x1082  }
0x22: {  	[simem:s7], [sflag:s8] =	dma.local @!p0 [hbm:s6], $0xF7A  }
0x23: {  	s9 =	sor.u32 $0xD0000000, s2;
	s6 =	simm.s32 $0x108;
	_ =	swait.ge @!p0 [sflag:s8], $0x0  }
0x24: {  	s3 =	sadd.s32 $0x88, s3;
	s6 =	simm.s32 @!p1 $0x1082;
	[sflag:s4] =	ssyncset.s32 $0xFFFFF086  }
0x25: {  	[simem:s6], [sflag:s4] =	dma.local [hbm:s3], $0xF7A  }
0x26: {  	[smem:$0x3F9B] =	sst s1;
	(tag) =	ssettag s2;
	_ =	strace s9  }
0x27: {  	s1 =	sld [smem:$0x3FAB]  }
0x28: {  	s2 =	sld [smem:$0x3FAC]  }
0x29: {  	s4 =	sld [smem:$0x3FAE]  }
0x2a: {  	p0 =	seq.s32 s5, $0x0;
	s5 =	sld [smem:$0x3FAF]  }
0x2b: {  	s6 =	sld [smem:$0x3FB0]  }
0x2c: {  	s7 =	sld [smem:$0x3FB1]  }
0x2d: {  	s3 =	simm.s32 $0x108;
	s8 =	sld [smem:$0x3FB2]  }
0x2e: {  	s3 =	simm.s32 @!p0 $0x1082;
	s9 =	sld [smem:$0x3FB3]  }
0x2f: {  	lr =	sadd.s32 s0, s3;
	s0 =	sld [smem:$0x3FAA]  }
0x30: {  	s3 =	sld [smem:$0x3FAD]  }
0x31: {  	[smem:$0x3FB6] =	sst s10  }
0x32: {  	s10 =	sld [smem:$0x3FB4];
	_ =	sdelay $0x3  }
0x33: {  	p0 =	seq.s32 s10, $0x1;
	s10 =	sld [smem:$0x3FB6];
	_ =	sdelay $0x3  }
0x34: {  	[smem:$0x3FB6] =	sst s10  }
0x35: {  	s10 =	sld [smem:$0x3FB5];
	_ =	sdelay $0x3  }
0x36: {  	p1 =	seq.s32 s10, $0x1;
	s10 =	sld [smem:$0x3FB6];
	_ =	sdelay $0x3  }
0x37: {  	[smem:$0x3FB6] =	sst s10  }
0x38: {  	s10 =	sld [smem:$0x3FB7]  }
0x39: {  	_ = 	snop;
	(pc) =	sbr.ind lr, $3  }
0x3a: {  	_ = 	snop  }
0x3b: {  	_ = 	snop  }
0x3c: {  	p2 =	seq.s32 s10, $0x1;
	s10 =	sld [smem:$0x3FB6]  }
0x3d: {  	_ =	shalt  }
0x3e: {  	_ =	shalt  }
0x3f: {  	_ =	shalt  }
0x40: {  	_ =	shalt  }
0x41: {  	_ =	shalt  }
0x42: {  	_ =	shalt  }
0x43: {  	_ =	shalt  }
0x44: {  	_ =	shalt  }
0x45: {  	_ =	shalt  }
0x46: {  	_ =	shalt  }
0x47: {  	_ =	shalt  }
0x48: {  	_ =	shalt  }
0x49: {  	_ =	shalt  }
0x4a: {  	_ =	shalt  }
0x4b: {  	_ =	shalt  }
0x4c: {  	_ =	shalt  }
0x4d: {  	_ =	shalt  }
0x4e: {  	_ =	shalt  }
0x4f: {  	_ =	shalt  }
0x50: {  	_ =	shalt  }
0x51: {  	_ =	shalt  }
0x52: {  	_ =	shalt  }
0x53: {  	_ =	shalt  }
0x54: {  	_ =	shalt  }
0x55: {  	_ =	shalt  }
0x56: {  	_ =	shalt  }
0x57: {  	_ =	shalt  }
0x58: {  	_ =	shalt  }
0x59: {  	_ =	shalt  }
0x5a: {  	_ =	shalt  }
0x5b: {  	_ =	shalt  }
0x5c: {  	_ =	shalt  }
0x5d: {  	_ =	shalt  }
0x5e: {  	_ =	shalt  }
0x5f: {  	_ =	shalt  }
0x60: {  	_ =	shalt  }
0x61: {  	_ =	shalt  }
0x62: {  	_ =	shalt  }
0x63: {  	_ =	shalt  }
0x64: {  	_ =	shalt  }
0x65: {  	_ =	shalt  }
0x66: {  	_ =	shalt  }
0x67: {  	_ =	shalt  }
0x68: {  	_ =	shalt  }
0x69: {  	_ =	shalt  }
0x6a: {  	_ =	shalt  }
0x6b: {  	_ =	shalt  }
0x6c: {  	_ =	shalt  }
0x6d: {  	_ =	shalt  }
0x6e: {  	_ =	shalt  }
0x6f: {  	_ =	shalt  }
0x70: {  	_ =	shalt  }
0x71: {  	_ =	shalt  }
0x72: {  	_ =	shalt  }
0x73: {  	_ =	shalt  }
0x74: {  	_ =	shalt  }
0x75: {  	_ =	shalt  }
0x76: {  	_ =	shalt  }
0x77: {  	_ =	shalt  }
0x78: {  	_ =	shalt  }
0x79: {  	_ =	shalt  }
0x7a: {  	_ =	shalt  }
0x7b: {  	_ =	shalt  }
0x7c: {  	_ =	shalt  }
0x7d: {  	_ =	shalt  }
0x7e: {  	_ =	shalt  }
0x7f: {  	_ =	shalt  }
0x80: {  	_ =	shalt  }
0x81: {  	_ =	shalt  }
0x82: {  	_ =	shalt  }
0x83: {  	_ =	shalt  }
0x84: {  	_ =	shalt  }
0x85: {  	_ =	shalt  }
0x86: {  	_ =	shalt  }
0x87: {  	_ =	shalt  }
.Lfunc_end0:
.L_simem_size_0:
called_computation_lowered:
.L_overlay_start_0:
0x88: {  	s2 =	sld [smem:$0x3FD9]  }
0x89: {  	s3 =	sld [smem:$0x3FFE];
	_ =	sdelay $0x1  }
0x8a: {  	s1 =	srdreg.scid  }
0x8b: {  	s0 =	sand.u32 $0x1, s1  }
0x8c: {  	s17 =	sshll.u32 s0, $0xA;
	s2 =	sadd.s32 s3, s2  }
0x8d: {  	s2 =	sadd.s32 s2, s17  }
0x8e: {  	[smem:$0x3FC2] =	sst s2  }
0x8f: {  	_ = 	snop  }
0x90: {  	(tm) =	ssettm $0x1  }
0x91: {  	s18 =	sld [smem:$0x3FFB];
	_ =	sdelay $0x3  }
0x92: {  	_ =	strace s18  }
0x93: {  	s2 =	sld [smem:$0x3FFC];
	_ =	sdelay $0x3  }
0x94: {  	_ =	strace s2  }
0x95: {  	s2 =	sld [smem:$0x3FFD];
	_ =	sdelay $0x3  }
0x96: {  	_ =	strace s2  }
0x97: {  	_ =	strace $0x8FFFFFFF  }
0x98: {  	s19 =	sld [smem:$0x3FDB];
	_ =	sdelay $0x1  }
0x99: {  	s20 =	simm.s32 $_scs_section_size  }
0x9a: {  	s4 =	simm.s32 $_size__tile_overlayer_lowered;
	s5 =	simm.s32 $_tile_overlayer_lowered  }
0x9b: {  	s6 =	simm.s32 $0x1BFF;
	s21 =	sshll.u32 s5, $0x1;
	s3 =	sadd.s32 s20, s19  }
0x9c: {  	s22 =	simm.s32 $0x0;
	s4 =	sshll.u32 s4, $0x1;
	s5 =	sadd.s32 s21, s3  }
0x9d: {  	[timem:s22], [sflag:s6] =	dma.local [hbm:s5], s4  }
0x9e: {  	_ =	swait.ge [sflag:s6], s4  }
0x9f: {  	s4 =	ssub.s32 $0x0, s4;
	[sflag:s6] =	ssyncset.done $0x0  }
0xa0: {  	[sflag:s6] =	ssyncadd.s32 s4;
	_ =	sdelay $0x1  }
0xa1: {  	s23 =	simm.s32 $0x1B8B  }
0xa2: {  	_ =	swait.ge [sflag:s23], $0x1  }
0xa3: {  	[sflag:s23] =	ssyncset.done $0x0  }
0xa4: {  	[sflag:s23] =	ssyncadd.s32 $0xFFFFFFFF  }
0xa5: {  	s4 =	sld [smem:$0x0]  }
0xa6: {  	s5 =	sand.u32 $0xFFFFFFFE, s1  }
0xa7: {  	p0 =	sne.s32 s1, s5  }
0xa8: {  	s5 =	sshll.u32 @p0 s5, $0xE  }
0xa9: {  	s5 =	sadd.s32 @p0 $0x11B8D, s5;
	s6 =	sshll.u32 @p0 s4, $0x11  }
0xaa: {  	s5 =	sor.u32 @p0 s6, s5  }
0xab: {  	[sflag:s5] =	ssyncadd.remote.s32 @p0 $0x1;
	_ =	sdelay $0x1  }
0xac: {  	s5 =	simm.s32 @p0 $0x1B8D  }
0xad: {  	_ =	swait.eq @p0 [sflag:s5], $0x1  }
0xae: {  	[sflag:s5] =	ssyncadd.s32 @p0 $0xFFFFFFFF  }
0xaf: {  	s6 =	sshll.u32 @!p0 s1, $0xE  }
0xb0: {  	s6 =	sor.u32 @!p0 $0x4000, s6;
	s5 =	simm.s32 @!p0 $0x1B8D  }
0xb1: {  	s4 =	sshll.u32 @!p0 s4, $0x11;
	s6 =	sadd.s32 @!p0 $0x11B8D, s6;
	_ =	swait.eq @!p0 [sflag:s5], $0x1  }
0xb2: {  	s4 =	sor.u32 @!p0 s4, s6;
	[sflag:s5] =	ssyncadd.s32 @!p0 $0xFFFFFFFF  }
0xb3: {  	s25 =	simm.s32 $0x1B8E;
	s24 =	sld [smem:$0x3FFE];
	[sflag:s4] =	ssyncadd.remote.s32 @!p0 $0x1  }
0xb4: {  	s26 =	simm.s32 $execute0_lowered;
	[smem:$0x3FD2] =	sst s25  }
0xb5: {  	s5 =	sshll.u32 s26, $0x1;
	_ =	strace $0x80000049;
	[dreg:$0x1] =	wrdreg $0xFFFFFFFF  }
0xb6: {  	s28 =	simm.s32 $_size_execute0_lowered;
	s3 =	sadd.s32 s3, s5;
	[dreg:$0x0] =	wrdreg $0x0  }
0xb7: {  	s5 =	sshll.u32 s28, $0x1;
	[dreg:$0x2] =	wrdreg s3  }
0xb8: {  	[dreg:$0x3] =	wrdreg s5  }
0xb9: {  	[dreg:$0x4] =	wrdreg $0xC0  }
0xba: {  	_ =	task [dreg:s22], $0x5FFFF  }
0xbb: {  	[dreg:$0x1] =	wrdreg $0xFFFFFFFF  }
0xbc: {  	[dreg:$0x0] =	wrdreg $0x60  }
0xbd: {  	[dreg:$0x2] =	wrdreg s24  }
0xbe: {  	[dreg:$0x3] =	wrdreg $0x3D900  }
0xbf: {  	[dreg:$0x4] =	wrdreg $0x9  }
0xc0: {  	_ =	task.clear_ibuf [dreg:s22], $0x5FFFF;
	_ =	strace $0x90000049  }
0xc1: {  	s29 =	simm.s32 $0x9;
	_ =	strace $0x8000004B  }
0xc2: {  	_ =	swait.ge [sflag:s29], $0x1  }
0xc3: {  	[sflag:s29] =	ssyncadd.s32 $0xFFFFFFFF  }
0xc4: {  	_ =	strace $0x9000004B  }
0xc5: {  	_ =	sfence  }
0xc6: {  	s30 =	sld [smem:$0x0];
	_ =	sdelay $0x2  }
0xc7: {  	s31 =	sshll.u32 s1, $0xD;
	s1 =	sshrl.u32 s1, $0x2  }
0xc8: {  	s4 =	sand.u32 $0x4000, s31;
	s1 =	sadd.s32 s1, s30  }
0xc9: {  	s0 =	sor.u32 s4, s0;
	s1 =	sshll.u32 s1, $0x11  }
0xca: {  	s0 =	sor.u32 s1, s0  }
0xcb: {  	s0 =	sadd.s32 $0x8F2B, s0  }
0xcc: {  	[sflag:s0] =	ssyncadd.remote.s32 $0x1  }
0xcd: {  	_ =	sfence.sel $0xFFFF  }
0xce: {  	[dreg:$0x0] =	wrdreg $0xFFFFFFFF;
	(pc) =	sbr.abs _section_cstart, $3  }
0xcf: {  	[dreg:$0x1] =	wrdreg $0xFFFFFFFF  }
0xd0: {  	_ =	task.clear_ibuf [dreg:s22], $0x2FFFF;
	_ =	strace $0x9FFFFFFF  }
0xd1: {  	(tm) =	ssettm $0x7FFFFFFF  }
tec
execute0_lowered:
.L_overlay_start_1:
0x0: {  	(tag) =	ssettag $0x1  }
0x1: {  	s5 =	rddreg [dreg:$0x0]  }
0x2: {  	s0 =	srdreg.scid;
	s2 =	rddreg [dreg:$0x1];
	s3 =	simm.s32 $0x0  }
0x3: {  	s12 =	simm.s32 $0x2710;
	s4 =	sand.u32 $0x1, s0;
	s0 =	stileid.u32  }
0x4: {  	s13 =	simm.s32 $0x50;
	s14 =	simm.s32 $0x0;
	s7 =	smul.u32 $0x1400, s0  }
0x5: {  	[smem:$0x7FF] =	sst s3;
	s1 =	sshll.u32 s4, $0x4;
	s8 =	smul.u32 $0x14000, s4  }
0x6: {  	s10 =	ssub.s32 $0x2, s4;
	s4 =	sadd.s32 $0x3CA00, s5;
	s1 =	sor.u32 s0, s1  }
0x7: {  	s11 =	sshrl.u32 s10, $0x1;
	s6 =	smul.u32 $0x4E2, s1;
	s1 =	rddreg [dreg:$0x2]  }
0x8: {  	_ =	strace $0x8000004A;
	s31 =	sshrl.u32 s7, $0x3;
	s8 =	sadd.s32 s7, s8  }
0x9: {  	s10 =	ssub.s32 s10, s11;
	s11 =	simm.s32 $0x1;
	s8 =	sshrl.u32 s8, $0x3  }
0xa: {  	s9 =	sadd.s32 s6, s5;
	s6 =	sadd.s32 s31, s5;
	s8 =	sadd.s32 s8, s5  }
0xb: {  	s5 =	sadd.s32 $0x3CC00, s6;
	s6 =	sadd.s32 s7, s2;
	s7 =	sadd.s32 $0xE00, s9  }
0xc: {  	s8 =	sadd.s32 $0x3F400, s8;
	s9 =	smax.u32 s10, $0x1;
	s10 =	simm.s32 $0x2990  }
.LBB2_1:
0xd: {  	[tilespmem:s10], [sflag:$0x1] =	stream.linear.gather [hbm4b:s5+s3], $0x1400, $0x38;
	[tilespmem:$0x5190] =	vst v63  }
0xe: {  	_ =	swait.ge [sflag:s11], $0x1400  }
0xf: {  	[sflag:s11] =	ssyncset.done $0x0  }
0x10: {  	[sflag:s11] =	ssyncadd.s32 $0xFFFFEC00  }
0x11: {  	[spmem:s6] =	stream.linear.scatter [tilespmem:s10], [sflag:$0x1], $0x1400, $0x38;
	[tilespmem:$0x5190] =	vst v63  }
0x12: {  	_ =	swait.ge [sflag:s11], $0x1400  }
0x13: {  	[sflag:s11] =	ssyncset.done $0x0  }
0x14: {  	[sflag:s11] =	ssyncadd.s32 $0xFFFFEC00  }
0x15: {  	[tilespmem:s12], [sflag:$0x1] =	stream.linear.gather [hbm4b:s4+s3], $0x280, $0x38;
	[tilespmem:$0x5190] =	vst v63  }
0x16: {  	_ =	swait.ge [sflag:s11], $0x280  }
0x17: {  	[sflag:s11] =	ssyncset.done $0x0  }
0x18: {  	[sflag:s11] =	ssyncadd.s32 $0xFFFFFD80  }
0x19: {  	[tilespmem:s3], [sflag:$0x1] =	stream.linear.gather [hbm4b:s7+s3], $0x2710, $0x38;
	[tilespmem:$0x5190] =	vst v63  }
0x1a: {  	_ =	swait.ge [sflag:s11], $0x2710  }
0x1b: {  	[sflag:s11] =	ssyncset.done $0x0  }
0x1c: {  	[sflag:s11] =	ssyncadd.s32 $0xFFFFD8F0  }
0x1d: {  	s15 =	simm.s32 $0x0;
	[bflag:$0x0] =	sbarrier.arrive $0xFFFF  }
0x1e: {  	[spmem:s2] =	stream.indirect.scatter.add.f32 [tilespmem:s12], [sflag:$0x1], $0x8, s15, s13, $0xb8;
	[tilespmem:$0x5190] =	vst v63  }
0x1f: {  	_ =	swait.ge [sflag:s11], $0x280  }
0x20: {  	s15 =	simm.s32 $0x140;
	[sflag:s11] =	ssyncset.done $0x0  }
.LBB2_2:
0x21: {  	s16 =	sshra.s32 s15, $0x2;
	[sflag:s11] =	ssyncadd.s32 $0xFFFFFD80;
	p0 =	sne.s32 s15, $0x9B00  }
0x22: {  	[spmem:s2] =	stream.indirect.scatter.add.f32 [tilespmem:s12], [sflag:$0x1], $0x8, s16, s13, $0xb8;
	[tilespmem:$0x5190] =	vst v63  }
.Ltmp0:
0x23: {  	_ = 	snop;
	(pc) =	sbr.rel @p0 .LBB2_2-.Ltmp0, $4  }
0x24: {  	_ = 	snop  }
0x25: {  	s15 =	sadd.s32 $0x140, s15  }
0x26: {  	_ =	swait.ge [sflag:s11], $0x280  }
0x27: {  	[sflag:s11] =	ssyncset.done $0x0  }
0x28: {  	[sflag:s11] =	ssyncadd.s32 $0xFFFFFD80  }
0x29: {  	[bflag:$0x0] =	sbarrier.arrive $0xFFFF  }
0x2a: {  	[tilespmem:s10], [sflag:$0x1] =	stream.linear.gather [spmem:s6], $0x1400, $0x38;
	[tilespmem:$0x5190] =	vst v63  }
0x2b: {  	s14 =	sadd.s32 $0x1, s14;
	_ =	swait.ge [sflag:s11], $0x1400  }
0x2c: {  	p0 =	sne.s32 s14, s9;
	[sflag:s11] =	ssyncset.done $0x0  }
.Ltmp1:
0x2d: {  	[sflag:s11] =	ssyncadd.s32 $0xFFFFEC00;
	(pc) =	sbr.rel @p0 .LBB2_1-.Ltmp1, $4  }
0x2e: {  	[hbm4b:s8+s3] =	stream.linear.scatter [tilespmem:s10], [sflag:$0x1], $0x1400, $0x38;
	[tilespmem:$0x5190] =	vst v63  }
0x2f: {  	_ =	swait.ge [sflag:s11], $0x1400  }
0x30: {  	[sflag:s11] =	ssyncset.done $0x0  }
0x31: {  	[sflag:s11] =	ssyncadd.s32 $0xFFFFEC00  }
0x32: {  	_ =	sfence.sel $0x180000  }
0x33: {  	[bflag:$0x0] =	sbarrier.arrive $0xFFFF  }
0x34: {  	p0 =	sne.s32 s0, $0x0;
	_ =	strace $0x9000004A  }
0x35: {  	s0 =	sadd.s32 @!p0 $0x100000, s1;
	[bflag:$0x2] =	sbarrier.arrive $0xFFFF  }
0x36: {  	[sflag:s0] =	ssyncadd.tile.s32 @!p0 $0x1;
	_ =	shalt  }
.Lfunc_end2:
_tile_overlayer_lowered:
.L_overlay_start_2:
0x37: {  	(tag) =	ssettag $0x2  }
0x38: {  	s0 =	rddreg [dreg:$0x0];
	s2 =	stileid.u32  }
0x39: {  	s1 =	rddreg [dreg:$0x1];
	p0 =	sne.s32 s2, $0x0  }
0x3a: {  	s3 =	rddreg [dreg:$0x2];
	[bflag:$0x3] =	sbarrier.arrive $0xFFFF;
	s2 =	simm.s32 @!p0 $0x1C01  }
0x3b: {  	[timem:s3], [sflag:s2] =	dma.local @!p0 [hbm:s0], s1  }
0x3c: {  	s0 =	simm.s32 @!p0 $0x1  }
0x3d: {  	_ =	swait.ge @!p0 [sflag:s0], s1  }
0x3e: {  	s1 =	ssub.s32 @!p0 $0x0, s1;
	[sflag:s0] =	ssyncset.done @!p0 $0x0  }
0x3f: {  	[sflag:s0] =	ssyncadd.s32 @!p0 s1  }
0x40: {  	[bflag:$0x3] =	sbarrier.arrive $0xFFFF  }
0x41: {  	_ =	shalt  }

</sc_bundles>
